<compile_context>
chip_gen: v7x
topology: tpu7x:2x2x1
jax: 0.10.2.dev20260603
libtpu: 0.0.44.dev20260713+nightly
codegen_flags: <defaults>
</compile_context>

<pallas_src>
import functools
import jax
import jax.numpy as jnp
from jax import lax
from jax.experimental import pallas as pl
from jax.experimental.pallas import tpu as pltpu
from jax.experimental.pallas import tpu_sc as plsc

N = 10000
D = 128
BI = 160
NI = -(-N // BI)
BI2 = 640
NI2 = -(-N // BI2)

NC = 2
NS = 16
NW = NC * NS
CHUNK = 32000
NCHUNK = (N * N) // CHUNK
EXTRA = NCHUNK % NW
L = 16

_sc_mesh = plsc.VectorSubcoreMesh(
    core_axis_name="c", subcore_axis_name="s", num_cores=NC, num_subcores=NS)


@functools.partial(
    pl.kernel,
    mesh=_sc_mesh,
    out_type=jax.ShapeDtypeStruct((N * N,), jnp.float32),
    scratch_types=[
        pltpu.VMEM((L,), jnp.float32),
        pltpu.VMEM((CHUNK,), jnp.float32),
        pltpu.VMEM((CHUNK,), jnp.float32),
        pltpu.VMEM((CHUNK,), jnp.float32),
    ],
)
def _sc_fuse(wv_hbm, a_hbm, b_hbm, out_hbm, wv_v, a_v, b_v, o_v):
    wid = lax.axis_index("s") * NC + lax.axis_index("c")
    pltpu.sync_copy(wv_hbm, wv_v)
    nmine = jnp.where(wid < EXTRA, NCHUNK // NW + 1, NCHUNK // NW)

    def chunk_body(t, carry):
        off = (wid + t * NW) * CHUNK
        pltpu.sync_copy(a_hbm.at[pl.ds(off, CHUNK)], a_v)
        pltpu.sync_copy(b_hbm.at[pl.ds(off, CHUNK)], b_v)
        wv = wv_v[...]
        w2 = 1.0 - wv

        def inner(i, c2):
            s = pl.ds(i * L, L)
            o_v[s] = wv * a_v[s] + w2 * b_v[s]
            return c2

        lax.fori_loop(0, CHUNK // L, inner, 0, unroll=8)
        pltpu.sync_copy(o_v, out_hbm.at[pl.ds(off, CHUNK)])
        return carry

    lax.fori_loop(0, nmine, chunk_body, 0)


def _mm1_body(w_ref, feat_ref, w1_ref, adj_s_ref, adj_f_ref, w2_ref,
              s2_ref, s1_ref):
    @pl.when(pl.program_id(0) == 0)
    def _():
        s1_ref[...] = jnp.dot(feat_ref[...], w1_ref[...],
                              preferred_element_type=jnp.float32)

    w = w_ref[0, 0]
    adj_tile = w * adj_s_ref[...] + (1.0 - w) * adj_f_ref[...]
    h1 = jnp.dot(adj_tile, s1_ref[...], preferred_element_type=jnp.float32)
    s2_ref[...] = jnp.dot(jnp.maximum(h1, 0.0), w2_ref[...],
                          preferred_element_type=jnp.float32)


def _mm2_ln_body(adj_ref, s2_ref, g_ref, b_ref, out_ref):
    x = jnp.dot(adj_ref[...], s2_ref[...], preferred_element_type=jnp.float32)
    mean = jnp.mean(x, axis=-1, keepdims=True)
    var = jnp.mean((x - mean) ** 2, axis=-1, keepdims=True)
    xhat = (x - mean) / jnp.sqrt(var + 1e-5)
    out_ref[...] = xhat * g_ref[...] + b_ref[...]


def kernel(feat, adj_spatial, adj_feature, W1, W2, alpha, gamma, beta):
    f32 = jnp.float32
    w = jax.nn.sigmoid(alpha).astype(f32)
    w11 = w.reshape(1, 1)
    wv = jnp.broadcast_to(w, (L,))
    gamma2 = gamma.reshape(1, D)
    beta2 = beta.reshape(1, D)

    adj_flat = _sc_fuse(wv, adj_spatial.reshape(-1), adj_feature.reshape(-1))
    adj = adj_flat.reshape(N, N)

    s2 = pl.pallas_call(
        _mm1_body,
        grid=(NI,),
        in_specs=[
            pl.BlockSpec((1, 1), lambda i: (0, 0)),
            pl.BlockSpec((N, D), lambda i: (0, 0)),
            pl.BlockSpec((D, D), lambda i: (0, 0)),
            pl.BlockSpec((BI, N), lambda i: (i, 0)),
            pl.BlockSpec((BI, N), lambda i: (i, 0)),
            pl.BlockSpec((D, D), lambda i: (0, 0)),
        ],
        out_specs=pl.BlockSpec((BI, D), lambda i: (i, 0)),
        out_shape=jax.ShapeDtypeStruct((N, D), f32),
        scratch_shapes=[pltpu.VMEM((N, D), f32)],
    )(w11, feat, W1, adj_spatial, adj_feature, W2)

    h = pl.pallas_call(
        _mm2_ln_body,
        grid=(NI2,),
        in_specs=[
            pl.BlockSpec((BI2, N), lambda i: (i, 0)),
            pl.BlockSpec((N, D), lambda i: (0, 0)),
            pl.BlockSpec((1, D), lambda i: (0, 0)),
            pl.BlockSpec((1, D), lambda i: (0, 0)),
        ],
        out_specs=pl.BlockSpec((BI2, D), lambda i: (i, 0)),
        out_shape=jax.ShapeDtypeStruct((N, D), f32),
        compiler_params=pltpu.CompilerParams(
            vmem_limit_bytes=64 * 1024 * 1024),
    )(adj, s2, gamma2, beta2)

    return (h, adj)

# --- scband reference (transcript-rebuilt; emitter-appended) ---
"""Pipeline reference for scband-robust-encoder-43860206027544 (READ-ONLY COPY).

The authoritative reference and input builder live on the scoring server;
editing this copy changes nothing except your own understanding.
"""

import jax, jax.numpy as jnp
import numpy as np
import math

N = 10000
D_IN = 128
D_OUT = 128

def _xavier_uniform(key, fan_in, fan_out):
    lim = math.sqrt(6.0 / (fan_in + fan_out))
    return jax.random.uniform(key, (fan_in, fan_out), dtype=jnp.float32, minval=-lim, maxval=lim)

def layer_norm(x, gamma, beta, eps=1e-5):
    mean = jnp.mean(x, axis=-1, keepdims=True)
    var = jnp.mean((x - mean) ** 2, axis=-1, keepdims=True)
    xhat = (x - mean) / jnp.sqrt(var + eps)
    return xhat * gamma + beta

def setup_inputs(seed: int = 0) -> dict:
    key = jax.random.key(seed)
    k1, k2, k3, k4, k5 = jax.random.split(key, 5)
    feat = jax.random.normal(k1, (N, D_IN), dtype=jnp.float32)
    adj_spatial = jax.random.uniform(k2, (N, N), dtype=jnp.float32)
    adj_feature = jax.random.uniform(k3, (N, N), dtype=jnp.float32)
    W1 = _xavier_uniform(k4, D_IN, D_OUT)
    W2 = _xavier_uniform(k5, D_OUT, D_OUT)
    alpha = jnp.asarray(0.5, dtype=jnp.float32)
    gamma = jnp.ones((D_OUT,), dtype=jnp.float32)
    beta = jnp.zeros((D_OUT,), dtype=jnp.float32)
    return {"feat": feat, "adj_spatial": adj_spatial, "adj_feature": adj_feature,
            "W1": W1, "W2": W2, "alpha": alpha, "gamma": gamma, "beta": beta}

def reference(feat, adj_spatial, adj_feature, W1, W2, alpha, gamma, beta):
    # AdaptiveAdjFusion
    w = jax.nn.sigmoid(alpha)
    adj = w * adj_spatial + (1.0 - w) * adj_feature
    # gc1: dropout is identity in eval mode; act = relu (linear=False)
    support1 = feat @ W1
    h = jax.nn.relu(adj @ support1)
    # gc2: act = identity
    support2 = h @ W2
    h = adj @ support2
    # LayerNorm
    h = layer_norm(h, gamma, beta)
    return (h, adj)

if __name__ == "__main__":
    import jax
    _d = setup_inputs()
    print(jax.jit(kernel)(*tuple(_d.values())))

</pallas_src>

<mosaic_0001>
#map = affine_map<(d0, d1) -> (0)>
module attributes {stable_mosaic.version = 14 : i64} {
  func.func @_sc_fuse(%arg0: i32, %arg1: i32, %arg2: memref<16xf32, #tpu.memory_space<hbm>>, %arg3: memref<100000000xf32, #tpu.memory_space<hbm>>, %arg4: memref<100000000xf32, #tpu.memory_space<hbm>>, %arg5: memref<100000000xf32, #tpu.memory_space<hbm>>, %arg6: memref<16xf32, #tpu.memory_space<vmem>>, %arg7: memref<32000xf32, #tpu.memory_space<vmem>>, %arg8: memref<32000xf32, #tpu.memory_space<vmem>>, %arg9: memref<32000xf32, #tpu.memory_space<vmem>>) attributes {dimension_semantics = [#tpu.dimension_semantics<core_parallel>, #tpu.dimension_semantics<subcore_parallel>], iteration_bounds = array<i64: 2, 16>, scalar_prefetch = 0 : i64, scratch_operands = 4 : i64, tpu.core_type = #tpu.core_type<sc_vector_subcore>, window_params = [{transform_indices = #map}, {transform_indices = #map}, {transform_indices = #map}, {transform_indices = #map}]} {
    %mul3A = arith.constant 2 : i32
    %mul3A_0 = arith.muli %arg1, %mul3A : i32
    %add3A = arith.addi %mul3A_0, %arg0 : i32
    "tpu.region"() ({
      %run_scoped3A = tpu.sem_alloc : memref<!tpu.dma_semaphore, #tpu.memory_space<semaphore_mem>>
      tpu.enqueue_dma source(%arg2 : memref<16xf32, #tpu.memory_space<hbm>>) target(%arg6 : memref<16xf32, #tpu.memory_space<vmem>>) target_semaphore(%run_scoped3A : memref<!tpu.dma_semaphore, #tpu.memory_space<semaphore_mem>>)
      tpu.wait_dma2 semaphore(%run_scoped3A : memref<!tpu.dma_semaphore, #tpu.memory_space<semaphore_mem>>) src(%arg2 : memref<16xf32, #tpu.memory_space<hbm>>) dst(%arg6 : memref<16xf32, #tpu.memory_space<vmem>>)
      tpu.yield
    }) : () -> ()
    %lt3A = arith.constant 21 : i32
    %lt3A_1 = arith.cmpi slt, %add3A, %lt3A : i32
    %jit3A = arith.constant 98 : i32
    %jit3A_2 = arith.constant 97 : i32
    %select_n3A = arith.select %lt3A_1, %jit3A, %jit3A_2 : i32
    %while3A = arith.constant 0 : i32
    %while3A_3 = arith.constant 0 : i32
    %while3A_4 = arith.subi %select_n3A, %while3A_3 : i32
    %while3A_5 = arith.addi %while3A_3, %while3A_4 : i32
    %while3A_6 = arith.constant 1 : i32
    %while3A_7 = arith.divsi %while3A_4, %while3A_6 : i32
    %while3A_8 = arith.muli %while3A_7, %while3A_6 : i32
    %while3A_9 = arith.addi %while3A_3, %while3A_8 : i32
    %while3A_10 = arith.constant 1 : i32
    scf.for %while3A_12 = %while3A_3 to %while3A_9 step %while3A_10  : i32 {
      %mul3A_13 = arith.constant 32 : i32
      %mul3A_14 = arith.muli %while3A_12, %mul3A_13 : i32
      %add3A_15 = arith.addi %add3A, %mul3A_14 : i32
      %mul3A_16 = arith.constant 32000 : i32
      %mul3A_17 = arith.muli %add3A_15, %mul3A_16 : i32
      "tpu.region"() ({
        %run_scoped3A = tpu.sem_alloc : memref<!tpu.dma_semaphore, #tpu.memory_space<semaphore_mem>>
        %dma_start3A = tpu.memref_slice %arg3[%mul3A_17] : memref<100000000xf32, #tpu.memory_space<hbm>> -> memref<32000xf32, #tpu.memory_space<hbm>>
        %dma_start3A_27 = tpu.memref_slice %arg3[%mul3A_17] : memref<100000000xf32, #tpu.memory_space<hbm>> -> memref<32000xf32, #tpu.memory_space<hbm>>
        tpu.enqueue_dma source(%dma_start3A_27 : memref<32000xf32, #tpu.memory_space<hbm>>) target(%arg7 : memref<32000xf32, #tpu.memory_space<vmem>>) target_semaphore(%run_scoped3A : memref<!tpu.dma_semaphore, #tpu.memory_space<semaphore_mem>>)
        %dma_wait3A = tpu.memref_slice %arg3[%mul3A_17] : memref<100000000xf32, #tpu.memory_space<hbm>> -> memref<32000xf32, #tpu.memory_space<hbm>>
        %dma_wait3A_28 = tpu.memref_slice %arg3[%mul3A_17] : memref<100000000xf32, #tpu.memory_space<hbm>> -> memref<32000xf32, #tpu.memory_space<hbm>>
        tpu.wait_dma2 semaphore(%run_scoped3A : memref<!tpu.dma_semaphore, #tpu.memory_space<semaphore_mem>>) src(%dma_wait3A_28 : memref<32000xf32, #tpu.memory_space<hbm>>) dst(%arg7 : memref<32000xf32, #tpu.memory_space<vmem>>)
        tpu.yield
      }) : () -> ()
      "tpu.region"() ({
        %run_scoped3A = tpu.sem_alloc : memref<!tpu.dma_semaphore, #tpu.memory_space<semaphore_mem>>
        %dma_start3A = tpu.memref_slice %arg4[%mul3A_17] : memref<100000000xf32, #tpu.memory_space<hbm>> -> memref<32000xf32, #tpu.memory_space<hbm>>
        %dma_start3A_27 = tpu.memref_slice %arg4[%mul3A_17] : memref<100000000xf32, #tpu.memory_space<hbm>> -> memref<32000xf32, #tpu.memory_space<hbm>>
        tpu.enqueue_dma source(%dma_start3A_27 : memref<32000xf32, #tpu.memory_space<hbm>>) target(%arg8 : memref<32000xf32, #tpu.memory_space<vmem>>) target_semaphore(%run_scoped3A : memref<!tpu.dma_semaphore, #tpu.memory_space<semaphore_mem>>)
        %dma_wait3A = tpu.memref_slice %arg4[%mul3A_17] : memref<100000000xf32, #tpu.memory_space<hbm>> -> memref<32000xf32, #tpu.memory_space<hbm>>
        %dma_wait3A_28 = tpu.memref_slice %arg4[%mul3A_17] : memref<100000000xf32, #tpu.memory_space<hbm>> -> memref<32000xf32, #tpu.memory_space<hbm>>
        tpu.wait_dma2 semaphore(%run_scoped3A : memref<!tpu.dma_semaphore, #tpu.memory_space<semaphore_mem>>) src(%dma_wait3A_28 : memref<32000xf32, #tpu.memory_space<hbm>>) dst(%arg8 : memref<32000xf32, #tpu.memory_space<vmem>>)
        tpu.yield
      }) : () -> ()
      %get3A = arith.constant 0 : index
      %get3A_18 = tpu.vector_load %arg6[%get3A] {strides = array<i32>} : memref<16xf32, #tpu.memory_space<vmem>>, vector<16xf32>,
      %get3A_19 = vector.shape_cast %get3A_18 : vector<16xf32> to vector<16xf32>
      %sub3A = arith.constant 1.000000e+00 : f32
      %sub3A_20 = vector.broadcast %sub3A : f32 to vector<16xf32>
      %sub3A_21 = arith.subf %sub3A_20, %get3A_19 : vector<16xf32>
      %scan3A = arith.constant 0 : i32
      %scan3A_22 = arith.constant 0 : i32
      %scan3A_23 = arith.constant 2000 : i32
      %scan3A_24 = arith.addi %scan3A_22, %scan3A_23 : i32
      %scan3A_25 = arith.constant 8 : i32
      scf.for %scan3A_27 = %scan3A_22 to %scan3A_24 step %scan3A_25  : i32 {
        %mul3A_28 = arith.constant 16 : i32
        %mul3A_29 = arith.muli %scan3A_27, %mul3A_28 : i32
        %get3A_30 = arith.index_cast %mul3A_29 : i32 to index
        %get3A_31 = tpu.vector_load %arg7[%get3A_30] {strides = array<i32>} : memref<32000xf32, #tpu.memory_space<vmem>>, vector<16xf32>,
        %get3A_32 = vector.shape_cast %get3A_31 : vector<16xf32> to vector<16xf32>
        %mul3A_33 = arith.mulf %get3A_19, %get3A_32 : vector<16xf32>
        %get3A_34 = arith.index_cast %mul3A_29 : i32 to index
        %get3A_35 = tpu.vector_load %arg8[%get3A_34] {strides = array<i32>} : memref<32000xf32, #tpu.memory_space<vmem>>, vector<16xf32>,
        %get3A_36 = vector.shape_cast %get3A_35 : vector<16xf32> to vector<16xf32>
        %mul3A_37 = arith.mulf %sub3A_21, %get3A_36 : vector<16xf32>
        %add3A_38 = arith.addf %mul3A_33, %mul3A_37 : vector<16xf32>
        %swap3A = arith.index_cast %mul3A_29 : i32 to index
        %swap3A_39 = tpu.vector_load %arg9[%swap3A] {strides = array<i32>} : memref<32000xf32, #tpu.memory_space<vmem>>, vector<16xf32>,
        %swap3A_40 = vector.shape_cast %swap3A_39 : vector<16xf32> to vector<16xf32>
        %swap3A_41 = vector.shape_cast %add3A_38 : vector<16xf32> to vector<16xf32>
        tpu.vector_store %arg9[%swap3A], %swap3A_41 {strides = array<i32>} : memref<32000xf32, #tpu.memory_space<vmem>>, vector<16xf32>,
        %scan3A_42 = arith.constant 1 : i32
        %scan3A_43 = arith.addi %scan3A_27, %scan3A_42 : i32
        %mul3A_44 = arith.constant 16 : i32
        %mul3A_45 = arith.muli %scan3A_43, %mul3A_44 : i32
        %get3A_46 = arith.index_cast %mul3A_45 : i32 to index
        %get3A_47 = tpu.vector_load %arg7[%get3A_46] {strides = array<i32>} : memref<32000xf32, #tpu.memory_space<vmem>>, vector<16xf32>,
        %get3A_48 = vector.shape_cast %get3A_47 : vector<16xf32> to vector<16xf32>
        %mul3A_49 = arith.mulf %get3A_19, %get3A_48 : vector<16xf32>
        %get3A_50 = arith.index_cast %mul3A_45 : i32 to index
        %get3A_51 = tpu.vector_load %arg8[%get3A_50] {strides = array<i32>} : memref<32000xf32, #tpu.memory_space<vmem>>, vector<16xf32>,
        %get3A_52 = vector.shape_cast %get3A_51 : vector<16xf32> to vector<16xf32>
        %mul3A_53 = arith.mulf %sub3A_21, %get3A_52 : vector<16xf32>
        %add3A_54 = arith.addf %mul3A_49, %mul3A_53 : vector<16xf32>
        %swap3A_55 = arith.index_cast %mul3A_45 : i32 to index
        %swap3A_56 = tpu.vector_load %arg9[%swap3A_55] {strides = array<i32>} : memref<32000xf32, #tpu.memory_space<vmem>>, vector<16xf32>,
        %swap3A_57 = vector.shape_cast %swap3A_56 : vector<16xf32> to vector<16xf32>
        %swap3A_58 = vector.shape_cast %add3A_54 : vector<16xf32> to vector<16xf32>
        tpu.vector_store %arg9[%swap3A_55], %swap3A_58 {strides = array<i32>} : memref<32000xf32, #tpu.memory_space<vmem>>, vector<16xf32>,
        %scan3A_59 = arith.constant 2 : i32
        %scan3A_60 = arith.addi %scan3A_27, %scan3A_59 : i32
        %mul3A_61 = arith.constant 16 : i32
        %mul3A_62 = arith.muli %scan3A_60, %mul3A_61 : i32
        %get3A_63 = arith.index_cast %mul3A_62 : i32 to index
        %get3A_64 = tpu.vector_load %arg7[%get3A_63] {strides = array<i32>} : memref<32000xf32, #tpu.memory_space<vmem>>, vector<16xf32>,
        %get3A_65 = vector.shape_cast %get3A_64 : vector<16xf32> to vector<16xf32>
        %mul3A_66 = arith.mulf %get3A_19, %get3A_65 : vector<16xf32>
        %get3A_67 = arith.index_cast %mul3A_62 : i32 to index
        %get3A_68 = tpu.vector_load %arg8[%get3A_67] {strides = array<i32>} : memref<32000xf32, #tpu.memory_space<vmem>>, vector<16xf32>,
        %get3A_69 = vector.shape_cast %get3A_68 : vector<16xf32> to vector<16xf32>
        %mul3A_70 = arith.mulf %sub3A_21, %get3A_69 : vector<16xf32>
        %add3A_71 = arith.addf %mul3A_66, %mul3A_70 : vector<16xf32>
        %swap3A_72 = arith.index_cast %mul3A_62 : i32 to index
        %swap3A_73 = tpu.vector_load %arg9[%swap3A_72] {strides = array<i32>} : memref<32000xf32, #tpu.memory_space<vmem>>, vector<16xf32>,
        %swap3A_74 = vector.shape_cast %swap3A_73 : vector<16xf32> to vector<16xf32>
        %swap3A_75 = vector.shape_cast %add3A_71 : vector<16xf32> to vector<16xf32>
        tpu.vector_store %arg9[%swap3A_72], %swap3A_75 {strides = array<i32>} : memref<32000xf32, #tpu.memory_space<vmem>>, vector<16xf32>,
        %scan3A_76 = arith.constant 3 : i32
        %scan3A_77 = arith.addi %scan3A_27, %scan3A_76 : i32
        %mul3A_78 = arith.constant 16 : i32
        %mul3A_79 = arith.muli %scan3A_77, %mul3A_78 : i32
        %get3A_80 = arith.index_cast %mul3A_79 : i32 to index
        %get3A_81 = tpu.vector_load %arg7[%get3A_80] {strides = array<i32>} : memref<32000xf32, #tpu.memory_space<vmem>>, vector<16xf32>,
        %get3A_82 = vector.shape_cast %get3A_81 : vector<16xf32> to vector<16xf32>
        %mul3A_83 = arith.mulf %get3A_19, %get3A_82 : vector<16xf32>
        %get3A_84 = arith.index_cast %mul3A_79 : i32 to index
        %get3A_85 = tpu.vector_load %arg8[%get3A_84] {strides = array<i32>} : memref<32000xf32, #tpu.memory_space<vmem>>, vector<16xf32>,
        %get3A_86 = vector.shape_cast %get3A_85 : vector<16xf32> to vector<16xf32>
        %mul3A_87 = arith.mulf %sub3A_21, %get3A_86 : vector<16xf32>
        %add3A_88 = arith.addf %mul3A_83, %mul3A_87 : vector<16xf32>
        %swap3A_89 = arith.index_cast %mul3A_79 : i32 to index
        %swap3A_90 = tpu.vector_load %arg9[%swap3A_89] {strides = array<i32>} : memref<32000xf32, #tpu.memory_space<vmem>>, vector<16xf32>,
        %swap3A_91 = vector.shape_cast %swap3A_90 : vector<16xf32> to vector<16xf32>
        %swap3A_92 = vector.shape_cast %add3A_88 : vector<16xf32> to vector<16xf32>
        tpu.vector_store %arg9[%swap3A_89], %swap3A_92 {strides = array<i32>} : memref<32000xf32, #tpu.memory_space<vmem>>, vector<16xf32>,
        %scan3A_93 = arith.constant 4 : i32
        %scan3A_94 = arith.addi %scan3A_27, %scan3A_93 : i32
        %mul3A_95 = arith.constant 16 : i32
        %mul3A_96 = arith.muli %scan3A_94, %mul3A_95 : i32
        %get3A_97 = arith.index_cast %mul3A_96 : i32 to index
        %get3A_98 = tpu.vector_load %arg7[%get3A_97] {strides = array<i32>} : memref<32000xf32, #tpu.memory_space<vmem>>, vector<16xf32>,
        %get3A_99 = vector.shape_cast %get3A_98 : vector<16xf32> to vector<16xf32>
        %mul3A_100 = arith.mulf %get3A_19, %get3A_99 : vector<16xf32>
        %get3A_101 = arith.index_cast %mul3A_96 : i32 to index
        %get3A_102 = tpu.vector_load %arg8[%get3A_101] {strides = array<i32>} : memref<32000xf32, #tpu.memory_space<vmem>>, vector<16xf32>,
        %get3A_103 = vector.shape_cast %get3A_102 : vector<16xf32> to vector<16xf32>
        %mul3A_104 = arith.mulf %sub3A_21, %get3A_103 : vector<16xf32>
        %add3A_105 = arith.addf %mul3A_100, %mul3A_104 : vector<16xf32>
        %swap3A_106 = arith.index_cast %mul3A_96 : i32 to index
        %swap3A_107 = tpu.vector_load %arg9[%swap3A_106] {strides = array<i32>} : memref<32000xf32, #tpu.memory_space<vmem>>, vector<16xf32>,
        %swap3A_108 = vector.shape_cast %swap3A_107 : vector<16xf32> to vector<16xf32>
        %swap3A_109 = vector.shape_cast %add3A_105 : vector<16xf32> to vector<16xf32>
        tpu.vector_store %arg9[%swap3A_106], %swap3A_109 {strides = array<i32>} : memref<32000xf32, #tpu.memory_space<vmem>>, vector<16xf32>,
        %scan3A_110 = arith.constant 5 : i32
        %scan3A_111 = arith.addi %scan3A_27, %scan3A_110 : i32
        %mul3A_112 = arith.constant 16 : i32
        %mul3A_113 = arith.muli %scan3A_111, %mul3A_112 : i32
        %get3A_114 = arith.index_cast %mul3A_113 : i32 to index
        %get3A_115 = tpu.vector_load %arg7[%get3A_114] {strides = array<i32>} : memref<32000xf32, #tpu.memory_space<vmem>>, vector<16xf32>,
        %get3A_116 = vector.shape_cast %get3A_115 : vector<16xf32> to vector<16xf32>
        %mul3A_117 = arith.mulf %get3A_19, %get3A_116 : vector<16xf32>
        %get3A_118 = arith.index_cast %mul3A_113 : i32 to index
        %get3A_119 = tpu.vector_load %arg8[%get3A_118] {strides = array<i32>} : memref<32000xf32, #tpu.memory_space<vmem>>, vector<16xf32>,
        %get3A_120 = vector.shape_cast %get3A_119 : vector<16xf32> to vector<16xf32>
        %mul3A_121 = arith.mulf %sub3A_21, %get3A_120 : vector<16xf32>
        %add3A_122 = arith.addf %mul3A_117, %mul3A_121 : vector<16xf32>
        %swap3A_123 = arith.index_cast %mul3A_113 : i32 to index
        %swap3A_124 = tpu.vector_load %arg9[%swap3A_123] {strides = array<i32>} : memref<32000xf32, #tpu.memory_space<vmem>>, vector<16xf32>,
        %swap3A_125 = vector.shape_cast %swap3A_124 : vector<16xf32> to vector<16xf32>
        %swap3A_126 = vector.shape_cast %add3A_122 : vector<16xf32> to vector<16xf32>
        tpu.vector_store %arg9[%swap3A_123], %swap3A_126 {strides = array<i32>} : memref<32000xf32, #tpu.memory_space<vmem>>, vector<16xf32>,
        %scan3A_127 = arith.constant 6 : i32
        %scan3A_128 = arith.addi %scan3A_27, %scan3A_127 : i32
        %mul3A_129 = arith.constant 16 : i32
        %mul3A_130 = arith.muli %scan3A_128, %mul3A_129 : i32
        %get3A_131 = arith.index_cast %mul3A_130 : i32 to index
        %get3A_132 = tpu.vector_load %arg7[%get3A_131] {strides = array<i32>} : memref<32000xf32, #tpu.memory_space<vmem>>, vector<16xf32>,
        %get3A_133 = vector.shape_cast %get3A_132 : vector<16xf32> to vector<16xf32>
        %mul3A_134 = arith.mulf %get3A_19, %get3A_133 : vector<16xf32>
        %get3A_135 = arith.index_cast %mul3A_130 : i32 to index
        %get3A_136 = tpu.vector_load %arg8[%get3A_135] {strides = array<i32>} : memref<32000xf32, #tpu.memory_space<vmem>>, vector<16xf32>,
        %get3A_137 = vector.shape_cast %get3A_136 : vector<16xf32> to vector<16xf32>
        %mul3A_138 = arith.mulf %sub3A_21, %get3A_137 : vector<16xf32>
        %add3A_139 = arith.addf %mul3A_134, %mul3A_138 : vector<16xf32>
        %swap3A_140 = arith.index_cast %mul3A_130 : i32 to index
        %swap3A_141 = tpu.vector_load %arg9[%swap3A_140] {strides = array<i32>} : memref<32000xf32, #tpu.memory_space<vmem>>, vector<16xf32>,
        %swap3A_142 = vector.shape_cast %swap3A_141 : vector<16xf32> to vector<16xf32>
        %swap3A_143 = vector.shape_cast %add3A_139 : vector<16xf32> to vector<16xf32>
        tpu.vector_store %arg9[%swap3A_140], %swap3A_143 {strides = array<i32>} : memref<32000xf32, #tpu.memory_space<vmem>>, vector<16xf32>,
        %scan3A_144 = arith.constant 7 : i32
        %scan3A_145 = arith.addi %scan3A_27, %scan3A_144 : i32
        %mul3A_146 = arith.constant 16 : i32
        %mul3A_147 = arith.muli %scan3A_145, %mul3A_146 : i32
        %get3A_148 = arith.index_cast %mul3A_147 : i32 to index
        %get3A_149 = tpu.vector_load %arg7[%get3A_148] {strides = array<i32>} : memref<32000xf32, #tpu.memory_space<vmem>>, vector<16xf32>,
        %get3A_150 = vector.shape_cast %get3A_149 : vector<16xf32> to vector<16xf32>
        %mul3A_151 = arith.mulf %get3A_19, %get3A_150 : vector<16xf32>
        %get3A_152 = arith.index_cast %mul3A_147 : i32 to index
        %get3A_153 = tpu.vector_load %arg8[%get3A_152] {strides = array<i32>} : memref<32000xf32, #tpu.memory_space<vmem>>, vector<16xf32>,
        %get3A_154 = vector.shape_cast %get3A_153 : vector<16xf32> to vector<16xf32>
        %mul3A_155 = arith.mulf %sub3A_21, %get3A_154 : vector<16xf32>
        %add3A_156 = arith.addf %mul3A_151, %mul3A_155 : vector<16xf32>
        %swap3A_157 = arith.index_cast %mul3A_147 : i32 to index
        %swap3A_158 = tpu.vector_load %arg9[%swap3A_157] {strides = array<i32>} : memref<32000xf32, #tpu.memory_space<vmem>>, vector<16xf32>,
        %swap3A_159 = vector.shape_cast %swap3A_158 : vector<16xf32> to vector<16xf32>
        %swap3A_160 = vector.shape_cast %add3A_156 : vector<16xf32> to vector<16xf32>
        tpu.vector_store %arg9[%swap3A_157], %swap3A_160 {strides = array<i32>} : memref<32000xf32, #tpu.memory_space<vmem>>, vector<16xf32>,
      }
      %scan3A_26 = arith.constant 2000 : i32
      "tpu.region"() ({
        %run_scoped3A = tpu.sem_alloc : memref<!tpu.dma_semaphore, #tpu.memory_space<semaphore_mem>>
        %dma_start3A = tpu.memref_slice %arg5[%mul3A_17] : memref<100000000xf32, #tpu.memory_space<hbm>> -> memref<32000xf32, #tpu.memory_space<hbm>>
        %dma_start3A_27 = tpu.memref_slice %arg5[%mul3A_17] : memref<100000000xf32, #tpu.memory_space<hbm>> -> memref<32000xf32, #tpu.memory_space<hbm>>
        tpu.enqueue_dma source(%arg9 : memref<32000xf32, #tpu.memory_space<vmem>>) target(%dma_start3A_27 : memref<32000xf32, #tpu.memory_space<hbm>>) target_semaphore(%run_scoped3A : memref<!tpu.dma_semaphore, #tpu.memory_space<semaphore_mem>>)
        %dma_wait3A = tpu.memref_slice %arg5[%mul3A_17] : memref<100000000xf32, #tpu.memory_space<hbm>> -> memref<32000xf32, #tpu.memory_space<hbm>>
        %dma_wait3A_28 = tpu.memref_slice %arg5[%mul3A_17] : memref<100000000xf32, #tpu.memory_space<hbm>> -> memref<32000xf32, #tpu.memory_space<hbm>>
        tpu.wait_dma2 semaphore(%run_scoped3A : memref<!tpu.dma_semaphore, #tpu.memory_space<semaphore_mem>>) src(%arg9 : memref<32000xf32, #tpu.memory_space<vmem>>) dst(%dma_wait3A_28 : memref<32000xf32, #tpu.memory_space<hbm>>)
        tpu.yield
      }) : () -> ()
    }
    %while3A_11 = arith.constant 1 : i32
    scf.for %while3A_12 = %while3A_9 to %while3A_5 step %while3A_11  : i32 {
      %mul3A_13 = arith.constant 32 : i32
      %mul3A_14 = arith.muli %while3A_12, %mul3A_13 : i32
      %add3A_15 = arith.addi %add3A, %mul3A_14 : i32
      %mul3A_16 = arith.constant 32000 : i32
      %mul3A_17 = arith.muli %add3A_15, %mul3A_16 : i32
      "tpu.region"() ({
        %run_scoped3A = tpu.sem_alloc : memref<!tpu.dma_semaphore, #tpu.memory_space<semaphore_mem>>
        %dma_start3A = tpu.memref_slice %arg3[%mul3A_17] : memref<100000000xf32, #tpu.memory_space<hbm>> -> memref<32000xf32, #tpu.memory_space<hbm>>
        %dma_start3A_27 = tpu.memref_slice %arg3[%mul3A_17] : memref<100000000xf32, #tpu.memory_space<hbm>> -> memref<32000xf32, #tpu.memory_space<hbm>>
        tpu.enqueue_dma source(%dma_start3A_27 : memref<32000xf32, #tpu.memory_space<hbm>>) target(%arg7 : memref<32000xf32, #tpu.memory_space<vmem>>) target_semaphore(%run_scoped3A : memref<!tpu.dma_semaphore, #tpu.memory_space<semaphore_mem>>)
        %dma_wait3A = tpu.memref_slice %arg3[%mul3A_17] : memref<100000000xf32, #tpu.memory_space<hbm>> -> memref<32000xf32, #tpu.memory_space<hbm>>
        %dma_wait3A_28 = tpu.memref_slice %arg3[%mul3A_17] : memref<100000000xf32, #tpu.memory_space<hbm>> -> memref<32000xf32, #tpu.memory_space<hbm>>
        tpu.wait_dma2 semaphore(%run_scoped3A : memref<!tpu.dma_semaphore, #tpu.memory_space<semaphore_mem>>) src(%dma_wait3A_28 : memref<32000xf32, #tpu.memory_space<hbm>>) dst(%arg7 : memref<32000xf32, #tpu.memory_space<vmem>>)
        tpu.yield
      }) : () -> ()
      "tpu.region"() ({
        %run_scoped3A = tpu.sem_alloc : memref<!tpu.dma_semaphore, #tpu.memory_space<semaphore_mem>>
        %dma_start3A = tpu.memref_slice %arg4[%mul3A_17] : memref<100000000xf32, #tpu.memory_space<hbm>> -> memref<32000xf32, #tpu.memory_space<hbm>>
        %dma_start3A_27 = tpu.memref_slice %arg4[%mul3A_17] : memref<100000000xf32, #tpu.memory_space<hbm>> -> memref<32000xf32, #tpu.memory_space<hbm>>
        tpu.enqueue_dma source(%dma_start3A_27 : memref<32000xf32, #tpu.memory_space<hbm>>) target(%arg8 : memref<32000xf32, #tpu.memory_space<vmem>>) target_semaphore(%run_scoped3A : memref<!tpu.dma_semaphore, #tpu.memory_space<semaphore_mem>>)
        %dma_wait3A = tpu.memref_slice %arg4[%mul3A_17] : memref<100000000xf32, #tpu.memory_space<hbm>> -> memref<32000xf32, #tpu.memory_space<hbm>>
        %dma_wait3A_28 = tpu.memref_slice %arg4[%mul3A_17] : memref<100000000xf32, #tpu.memory_space<hbm>> -> memref<32000xf32, #tpu.memory_space<hbm>>
        tpu.wait_dma2 semaphore(%run_scoped3A : memref<!tpu.dma_semaphore, #tpu.memory_space<semaphore_mem>>) src(%dma_wait3A_28 : memref<32000xf32, #tpu.memory_space<hbm>>) dst(%arg8 : memref<32000xf32, #tpu.memory_space<vmem>>)
        tpu.yield
      }) : () -> ()
      %get3A = arith.constant 0 : index
      %get3A_18 = tpu.vector_load %arg6[%get3A] {strides = array<i32>} : memref<16xf32, #tpu.memory_space<vmem>>, vector<16xf32>,
      %get3A_19 = vector.shape_cast %get3A_18 : vector<16xf32> to vector<16xf32>
      %sub3A = arith.constant 1.000000e+00 : f32
      %sub3A_20 = vector.broadcast %sub3A : f32 to vector<16xf32>
      %sub3A_21 = arith.subf %sub3A_20, %get3A_19 : vector<16xf32>
      %scan3A = arith.constant 0 : i32
      %scan3A_22 = arith.constant 0 : i32
      %scan3A_23 = arith.constant 2000 : i32
      %scan3A_24 = arith.addi %scan3A_22, %scan3A_23 : i32
      %scan3A_25 = arith.constant 8 : i32
      scf.for %scan3A_27 = %scan3A_22 to %scan3A_24 step %scan3A_25  : i32 {
        %mul3A_28 = arith.constant 16 : i32
        %mul3A_29 = arith.muli %scan3A_27, %mul3A_28 : i32
        %get3A_30 = arith.index_cast %mul3A_29 : i32 to index
        %get3A_31 = tpu.vector_load %arg7[%get3A_30] {strides = array<i32>} : memref<32000xf32, #tpu.memory_space<vmem>>, vector<16xf32>,
        %get3A_32 = vector.shape_cast %get3A_31 : vector<16xf32> to vector<16xf32>
        %mul3A_33 = arith.mulf %get3A_19, %get3A_32 : vector<16xf32>
        %get3A_34 = arith.index_cast %mul3A_29 : i32 to index
        %get3A_35 = tpu.vector_load %arg8[%get3A_34] {strides = array<i32>} : memref<32000xf32, #tpu.memory_space<vmem>>, vector<16xf32>,
        %get3A_36 = vector.shape_cast %get3A_35 : vector<16xf32> to vector<16xf32>
        %mul3A_37 = arith.mulf %sub3A_21, %get3A_36 : vector<16xf32>
        %add3A_38 = arith.addf %mul3A_33, %mul3A_37 : vector<16xf32>
        %swap3A = arith.index_cast %mul3A_29 : i32 to index
        %swap3A_39 = tpu.vector_load %arg9[%swap3A] {strides = array<i32>} : memref<32000xf32, #tpu.memory_space<vmem>>, vector<16xf32>,
        %swap3A_40 = vector.shape_cast %swap3A_39 : vector<16xf32> to vector<16xf32>
        %swap3A_41 = vector.shape_cast %add3A_38 : vector<16xf32> to vector<16xf32>
        tpu.vector_store %arg9[%swap3A], %swap3A_41 {strides = array<i32>} : memref<32000xf32, #tpu.memory_space<vmem>>, vector<16xf32>,
        %scan3A_42 = arith.constant 1 : i32
        %scan3A_43 = arith.addi %scan3A_27, %scan3A_42 : i32
        %mul3A_44 = arith.constant 16 : i32
        %mul3A_45 = arith.muli %scan3A_43, %mul3A_44 : i32
        %get3A_46 = arith.index_cast %mul3A_45 : i32 to index
        %get3A_47 = tpu.vector_load %arg7[%get3A_46] {strides = array<i32>} : memref<32000xf32, #tpu.memory_space<vmem>>, vector<16xf32>,
        %get3A_48 = vector.shape_cast %get3A_47 : vector<16xf32> to vector<16xf32>
        %mul3A_49 = arith.mulf %get3A_19, %get3A_48 : vector<16xf32>
        %get3A_50 = arith.index_cast %mul3A_45 : i32 to index
        %get3A_51 = tpu.vector_load %arg8[%get3A_50] {strides = array<i32>} : memref<32000xf32, #tpu.memory_space<vmem>>, vector<16xf32>,
        %get3A_52 = vector.shape_cast %get3A_51 : vector<16xf32> to vector<16xf32>
        %mul3A_53 = arith.mulf %sub3A_21, %get3A_52 : vector<16xf32>
        %add3A_54 = arith.addf %mul3A_49, %mul3A_53 : vector<16xf32>
        %swap3A_55 = arith.index_cast %mul3A_45 : i32 to index
        %swap3A_56 = tpu.vector_load %arg9[%swap3A_55] {strides = array<i32>} : memref<32000xf32, #tpu.memory_space<vmem>>, vector<16xf32>,
        %swap3A_57 = vector.shape_cast %swap3A_56 : vector<16xf32> to vector<16xf32>
        %swap3A_58 = vector.shape_cast %add3A_54 : vector<16xf32> to vector<16xf32>
        tpu.vector_store %arg9[%swap3A_55], %swap3A_58 {strides = array<i32>} : memref<32000xf32, #tpu.memory_space<vmem>>, vector<16xf32>,
        %scan3A_59 = arith.constant 2 : i32
        %scan3A_60 = arith.addi %scan3A_27, %scan3A_59 : i32
        %mul3A_61 = arith.constant 16 : i32
        %mul3A_62 = arith.muli %scan3A_60, %mul3A_61 : i32
        %get3A_63 = arith.index_cast %mul3A_62 : i32 to index
        %get3A_64 = tpu.vector_load %arg7[%get3A_63] {strides = array<i32>} : memref<32000xf32, #tpu.memory_space<vmem>>, vector<16xf32>,
        %get3A_65 = vector.shape_cast %get3A_64 : vector<16xf32> to vector<16xf32>
        %mul3A_66 = arith.mulf %get3A_19, %get3A_65 : vector<16xf32>
        %get3A_67 = arith.index_cast %mul3A_62 : i32 to index
        %get3A_68 = tpu.vector_load %arg8[%get3A_67] {strides = array<i32>} : memref<32000xf32, #tpu.memory_space<vmem>>, vector<16xf32>,
        %get3A_69 = vector.shape_cast %get3A_68 : vector<16xf32> to vector<16xf32>
        %mul3A_70 = arith.mulf %sub3A_21, %get3A_69 : vector<16xf32>
        %add3A_71 = arith.addf %mul3A_66, %mul3A_70 : vector<16xf32>
        %swap3A_72 = arith.index_cast %mul3A_62 : i32 to index
        %swap3A_73 = tpu.vector_load %arg9[%swap3A_72] {strides = array<i32>} : memref<32000xf32, #tpu.memory_space<vmem>>, vector<16xf32>,
        %swap3A_74 = vector.shape_cast %swap3A_73 : vector<16xf32> to vector<16xf32>
        %swap3A_75 = vector.shape_cast %add3A_71 : vector<16xf32> to vector<16xf32>
        tpu.vector_store %arg9[%swap3A_72], %swap3A_75 {strides = array<i32>} : memref<32000xf32, #tpu.memory_space<vmem>>, vector<16xf32>,
        %scan3A_76 = arith.constant 3 : i32
        %scan3A_77 = arith.addi %scan3A_27, %scan3A_76 : i32
        %mul3A_78 = arith.constant 16 : i32
        %mul3A_79 = arith.muli %scan3A_77, %mul3A_78 : i32
        %get3A_80 = arith.index_cast %mul3A_79 : i32 to index
        %get3A_81 = tpu.vector_load %arg7[%get3A_80] {strides = array<i32>} : memref<32000xf32, #tpu.memory_space<vmem>>, vector<16xf32>,
        %get3A_82 = vector.shape_cast %get3A_81 : vector<16xf32> to vector<16xf32>
        %mul3A_83 = arith.mulf %get3A_19, %get3A_82 : vector<16xf32>
        %get3A_84 = arith.index_cast %mul3A_79 : i32 to index
        %get3A_85 = tpu.vector_load %arg8[%get3A_84] {strides = array<i32>} : memref<32000xf32, #tpu.memory_space<vmem>>, vector<16xf32>,
        %get3A_86 = vector.shape_cast %get3A_85 : vector<16xf32> to vector<16xf32>
        %mul3A_87 = arith.mulf %sub3A_21, %get3A_86 : vector<16xf32>
        %add3A_88 = arith.addf %mul3A_83, %mul3A_87 : vector<16xf32>
        %swap3A_89 = arith.index_cast %mul3A_79 : i32 to index
        %swap3A_90 = tpu.vector_load %arg9[%swap3A_89] {strides = array<i32>} : memref<32000xf32, #tpu.memory_space<vmem>>, vector<16xf32>,
        %swap3A_91 = vector.shape_cast %swap3A_90 : vector<16xf32> to vector<16xf32>
        %swap3A_92 = vector.shape_cast %add3A_88 : vector<16xf32> to vector<16xf32>
        tpu.vector_store %arg9[%swap3A_89], %swap3A_92 {strides = array<i32>} : memref<32000xf32, #tpu.memory_space<vmem>>, vector<16xf32>,
        %scan3A_93 = arith.constant 4 : i32
        %scan3A_94 = arith.addi %scan3A_27, %scan3A_93 : i32
        %mul3A_95 = arith.constant 16 : i32
        %mul3A_96 = arith.muli %scan3A_94, %mul3A_95 : i32
        %get3A_97 = arith.index_cast %mul3A_96 : i32 to index
        %get3A_98 = tpu.vector_load %arg7[%get3A_97] {strides = array<i32>} : memref<32000xf32, #tpu.memory_space<vmem>>, vector<16xf32>,
        %get3A_99 = vector.shape_cast %get3A_98 : vector<16xf32> to vector<16xf32>
        %mul3A_100 = arith.mulf %get3A_19, %get3A_99 : vector<16xf32>
        %get3A_101 = arith.index_cast %mul3A_96 : i32 to index
        %get3A_102 = tpu.vector_load %arg8[%get3A_101] {strides = array<i32>} : memref<32000xf32, #tpu.memory_space<vmem>>, vector<16xf32>,
        %get3A_103 = vector.shape_cast %get3A_102 : vector<16xf32> to vector<16xf32>
        %mul3A_104 = arith.mulf %sub3A_21, %get3A_103 : vector<16xf32>
        %add3A_105 = arith.addf %mul3A_100, %mul3A_104 : vector<16xf32>
        %swap3A_106 = arith.index_cast %mul3A_96 : i32 to index
        %swap3A_107 = tpu.vector_load %arg9[%swap3A_106] {strides = array<i32>} : memref<32000xf32, #tpu.memory_space<vmem>>, vector<16xf32>,
        %swap3A_108 = vector.shape_cast %swap3A_107 : vector<16xf32> to vector<16xf32>
        %swap3A_109 = vector.shape_cast %add3A_105 : vector<16xf32> to vector<16xf32>
        tpu.vector_store %arg9[%swap3A_106], %swap3A_109 {strides = array<i32>} : memref<32000xf32, #tpu.memory_space<vmem>>, vector<16xf32>,
        %scan3A_110 = arith.constant 5 : i32
        %scan3A_111 = arith.addi %scan3A_27, %scan3A_110 : i32
        %mul3A_112 = arith.constant 16 : i32
        %mul3A_113 = arith.muli %scan3A_111, %mul3A_112 : i32
        %get3A_114 = arith.index_cast %mul3A_113 : i32 to index
        %get3A_115 = tpu.vector_load %arg7[%get3A_114] {strides = array<i32>} : memref<32000xf32, #tpu.memory_space<vmem>>, vector<16xf32>,
        %get3A_116 = vector.shape_cast %get3A_115 : vector<16xf32> to vector<16xf32>
        %mul3A_117 = arith.mulf %get3A_19, %get3A_116 : vector<16xf32>
        %get3A_118 = arith.index_cast %mul3A_113 : i32 to index
        %get3A_119 = tpu.vector_load %arg8[%get3A_118] {strides = array<i32>} : memref<32000xf32, #tpu.memory_space<vmem>>, vector<16xf32>,
        %get3A_120 = vector.shape_cast %get3A_119 : vector<16xf32> to vector<16xf32>
        %mul3A_121 = arith.mulf %sub3A_21, %get3A_120 : vector<16xf32>
        %add3A_122 = arith.addf %mul3A_117, %mul3A_121 : vector<16xf32>
        %swap3A_123 = arith.index_cast %mul3A_113 : i32 to index
        %swap3A_124 = tpu.vector_load %arg9[%swap3A_123] {strides = array<i32>} : memref<32000xf32, #tpu.memory_space<vmem>>, vector<16xf32>,
        %swap3A_125 = vector.shape_cast %swap3A_124 : vector<16xf32> to vector<16xf32>
        %swap3A_126 = vector.shape_cast %add3A_122 : vector<16xf32> to vector<16xf32>
        tpu.vector_store %arg9[%swap3A_123], %swap3A_126 {strides = array<i32>} : memref<32000xf32, #tpu.memory_space<vmem>>, vector<16xf32>,
        %scan3A_127 = arith.constant 6 : i32
        %scan3A_128 = arith.addi %scan3A_27, %scan3A_127 : i32
        %mul3A_129 = arith.constant 16 : i32
        %mul3A_130 = arith.muli %scan3A_128, %mul3A_129 : i32
        %get3A_131 = arith.index_cast %mul3A_130 : i32 to index
        %get3A_132 = tpu.vector_load %arg7[%get3A_131] {strides = array<i32>} : memref<32000xf32, #tpu.memory_space<vmem>>, vector<16xf32>,
        %get3A_133 = vector.shape_cast %get3A_132 : vector<16xf32> to vector<16xf32>
        %mul3A_134 = arith.mulf %get3A_19, %get3A_133 : vector<16xf32>
        %get3A_135 = arith.index_cast %mul3A_130 : i32 to index
        %get3A_136 = tpu.vector_load %arg8[%get3A_135] {strides = array<i32>} : memref<32000xf32, #tpu.memory_space<vmem>>, vector<16xf32>,
        %get3A_137 = vector.shape_cast %get3A_136 : vector<16xf32> to vector<16xf32>
        %mul3A_138 = arith.mulf %sub3A_21, %get3A_137 : vector<16xf32>
        %add3A_139 = arith.addf %mul3A_134, %mul3A_138 : vector<16xf32>
        %swap3A_140 = arith.index_cast %mul3A_130 : i32 to index
        %swap3A_141 = tpu.vector_load %arg9[%swap3A_140] {strides = array<i32>} : memref<32000xf32, #tpu.memory_space<vmem>>, vector<16xf32>,
        %swap3A_142 = vector.shape_cast %swap3A_141 : vector<16xf32> to vector<16xf32>
        %swap3A_143 = vector.shape_cast %add3A_139 : vector<16xf32> to vector<16xf32>
        tpu.vector_store %arg9[%swap3A_140], %swap3A_143 {strides = array<i32>} : memref<32000xf32, #tpu.memory_space<vmem>>, vector<16xf32>,
        %scan3A_144 = arith.constant 7 : i32
        %scan3A_145 = arith.addi %scan3A_27, %scan3A_144 : i32
        %mul3A_146 = arith.constant 16 : i32
        %mul3A_147 = arith.muli %scan3A_145, %mul3A_146 : i32
        %get3A_148 = arith.index_cast %mul3A_147 : i32 to index
        %get3A_149 = tpu.vector_load %arg7[%get3A_148] {strides = array<i32>} : memref<32000xf32, #tpu.memory_space<vmem>>, vector<16xf32>,
        %get3A_150 = vector.shape_cast %get3A_149 : vector<16xf32> to vector<16xf32>
        %mul3A_151 = arith.mulf %get3A_19, %get3A_150 : vector<16xf32>
        %get3A_152 = arith.index_cast %mul3A_147 : i32 to index
        %get3A_153 = tpu.vector_load %arg8[%get3A_152] {strides = array<i32>} : memref<32000xf32, #tpu.memory_space<vmem>>, vector<16xf32>,
        %get3A_154 = vector.shape_cast %get3A_153 : vector<16xf32> to vector<16xf32>
        %mul3A_155 = arith.mulf %sub3A_21, %get3A_154 : vector<16xf32>
        %add3A_156 = arith.addf %mul3A_151, %mul3A_155 : vector<16xf32>
        %swap3A_157 = arith.index_cast %mul3A_147 : i32 to index
        %swap3A_158 = tpu.vector_load %arg9[%swap3A_157] {strides = array<i32>} : memref<32000xf32, #tpu.memory_space<vmem>>, vector<16xf32>,
        %swap3A_159 = vector.shape_cast %swap3A_158 : vector<16xf32> to vector<16xf32>
        %swap3A_160 = vector.shape_cast %add3A_156 : vector<16xf32> to vector<16xf32>
        tpu.vector_store %arg9[%swap3A_157], %swap3A_160 {strides = array<i32>} : memref<32000xf32, #tpu.memory_space<vmem>>, vector<16xf32>,
      }
      %scan3A_26 = arith.constant 2000 : i32
      "tpu.region"() ({
        %run_scoped3A = tpu.sem_alloc : memref<!tpu.dma_semaphore, #tpu.memory_space<semaphore_mem>>
        %dma_start3A = tpu.memref_slice %arg5[%mul3A_17] : memref<100000000xf32, #tpu.memory_space<hbm>> -> memref<32000xf32, #tpu.memory_space<hbm>>
        %dma_start3A_27 = tpu.memref_slice %arg5[%mul3A_17] : memref<100000000xf32, #tpu.memory_space<hbm>> -> memref<32000xf32, #tpu.memory_space<hbm>>
        tpu.enqueue_dma source(%arg9 : memref<32000xf32, #tpu.memory_space<vmem>>) target(%dma_start3A_27 : memref<32000xf32, #tpu.memory_space<hbm>>) target_semaphore(%run_scoped3A : memref<!tpu.dma_semaphore, #tpu.memory_space<semaphore_mem>>)
        %dma_wait3A = tpu.memref_slice %arg5[%mul3A_17] : memref<100000000xf32, #tpu.memory_space<hbm>> -> memref<32000xf32, #tpu.memory_space<hbm>>
        %dma_wait3A_28 = tpu.memref_slice %arg5[%mul3A_17] : memref<100000000xf32, #tpu.memory_space<hbm>> -> memref<32000xf32, #tpu.memory_space<hbm>>
        tpu.wait_dma2 semaphore(%run_scoped3A : memref<!tpu.dma_semaphore, #tpu.memory_space<semaphore_mem>>) src(%arg9 : memref<32000xf32, #tpu.memory_space<vmem>>) dst(%dma_wait3A_28 : memref<32000xf32, #tpu.memory_space<hbm>>)
        tpu.yield
      }) : () -> ()
    }
    return
  }
}

module attributes {stable_mosaic.version = 14 : i64} {
  func.func @_mm2_ln_body(%arg0: i32, %arg1: memref<640x10000xf32, #tpu.memory_space<vmem>>, %arg2: memref<10000x128xf32, #tpu.memory_space<vmem>>, %arg3: memref<1x128xf32, #tpu.memory_space<vmem>>, %arg4: memref<1x128xf32, #tpu.memory_space<vmem>>, %arg5: memref<640x128xf32, #tpu.memory_space<vmem>>) attributes {dimension_semantics = [#tpu.dimension_semantics<arbitrary>], iteration_bounds = array<i64: 16>, scalar_prefetch = 0 : i64, scratch_operands = 0 : i64, tpu.core_type = #tpu.core_type<tc>, window_params = [{transform_indices = @transform_0, window_bounds = array<i64: 640, 10000>}, {pipeline_mode = #tpu.pipeline_mode<synchronous>, transform_indices = @transform_1, window_bounds = array<i64: 10000, 128>}, {pipeline_mode = #tpu.pipeline_mode<synchronous>, transform_indices = @transform_2, window_bounds = array<i64: 1, 128>}, {pipeline_mode = #tpu.pipeline_mode<synchronous>, transform_indices = @transform_3, window_bounds = array<i64: 1, 128>}, {transform_indices = @transform_4, window_bounds = array<i64: 640, 128>}]} {
    %get3A = arith.constant 0 : index
    %get3A_0 = arith.constant 0 : index
    %get3A_1 = vector.load %arg1[%get3A, %get3A_0] : memref<640x10000xf32, #tpu.memory_space<vmem>>, vector<640x10000xf32>
    %get3A_2 = arith.constant 0 : index
    %get3A_3 = arith.constant 0 : index
    %get3A_4 = vector.load %arg2[%get3A_2, %get3A_3] : memref<10000x128xf32, #tpu.memory_space<vmem>>, vector<10000x128xf32>
    %dot_general3A = arith.constant dense<0.000000e+00> : vector<640x128xf32>
    %dot_general3A_5 = tpu.matmul %get3A_1, %get3A_4, %dot_general3A {dimension_numbers = #tpu.dot_dimension_numbers<[1], [0], [0], [1], [0, 0, 1, 1], [], []>, transpose_lhs_hint = false} : vector<640x10000xf32>, vector<10000x128xf32>, vector<640x128xf32> -> vector<640x128xf32>
    %reduce_sum3A = arith.constant dense<0.000000e+00> : vector<640xf32>
    %reduce_sum3A_6 = vector.multi_reduction <add>, %dot_general3A_5, %reduce_sum3A [1] : vector<640x128xf32> to vector<640xf32>
    %broadcast_in_dim3A = vector.shape_cast %reduce_sum3A_6 : vector<640xf32> to vector<640x1xf32>
    %div3A = arith.constant 1.280000e+02 : f32
    %div3A_7 = vector.broadcast %div3A : f32 to vector<640x1xf32>
    %div3A_8 = arith.divf %broadcast_in_dim3A, %div3A_7 : vector<640x1xf32>
    %sub3A = vector.broadcast %div3A_8 : vector<640x1xf32> to vector<640x128xf32>
    %sub3A_9 = arith.subf %dot_general3A_5, %sub3A : vector<640x128xf32>
    %integer_pow3A = arith.mulf %sub3A_9, %sub3A_9 : vector<640x128xf32>
    %reduce_sum3A_10 = arith.constant dense<0.000000e+00> : vector<640xf32>
    %reduce_sum3A_11 = vector.multi_reduction <add>, %integer_pow3A, %reduce_sum3A_10 [1] : vector<640x128xf32> to vector<640xf32>
    %broadcast_in_dim3A_12 = vector.shape_cast %reduce_sum3A_11 : vector<640xf32> to vector<640x1xf32>
    %div3A_13 = arith.constant 1.280000e+02 : f32
    %div3A_14 = vector.broadcast %div3A_13 : f32 to vector<640x1xf32>
    %div3A_15 = arith.divf %broadcast_in_dim3A_12, %div3A_14 : vector<640x1xf32>
    %sub3A_16 = vector.broadcast %div3A_8 : vector<640x1xf32> to vector<640x128xf32>
    %sub3A_17 = arith.subf %dot_general3A_5, %sub3A_16 : vector<640x128xf32>
    %add3A = arith.constant 9.99999974E-6 : f32
    %add3A_18 = vector.broadcast %add3A : f32 to vector<640x1xf32>
    %add3A_19 = arith.addf %div3A_15, %add3A_18 : vector<640x1xf32>
    %sqrt3A = math.sqrt %add3A_19 : vector<640x1xf32>
    %div3A_20 = vector.broadcast %sqrt3A : vector<640x1xf32> to vector<640x128xf32>
    %div3A_21 = arith.divf %sub3A_17, %div3A_20 : vector<640x128xf32>
    %get3A_22 = arith.constant 0 : index
    %get3A_23 = arith.constant 0 : index
    %get3A_24 = vector.load %arg3[%get3A_22, %get3A_23] : memref<1x128xf32, #tpu.memory_space<vmem>>, vector<1x128xf32>
    %mul3A = vector.broadcast %get3A_24 : vector<1x128xf32> to vector<640x128xf32>
    %mul3A_25 = arith.mulf %div3A_21, %mul3A : vector<640x128xf32>
    %get3A_26 = arith.constant 0 : index
    %get3A_27 = arith.constant 0 : index
    %get3A_28 = vector.load %arg4[%get3A_26, %get3A_27] : memref<1x128xf32, #tpu.memory_space<vmem>>, vector<1x128xf32>
    %add3A_29 = vector.broadcast %get3A_28 : vector<1x128xf32> to vector<640x128xf32>
    %add3A_30 = arith.addf %mul3A_25, %add3A_29 : vector<640x128xf32>
    %swap3A = arith.constant 0 : index
    %swap3A_31 = arith.constant 0 : index
    %swap3A_32 = vector.load %arg5[%swap3A, %swap3A_31] : memref<640x128xf32, #tpu.memory_space<vmem>>, vector<640x128xf32>
    tpu.vector_store %arg5[%swap3A, %swap3A_31], %add3A_30 {strides = array<i32>} : memref<640x128xf32, #tpu.memory_space<vmem>>, vector<640x128xf32>,
    return
  }
  func.func @transform_0(%arg0: i32) -> (i32, i32) {
    %c0_i32 = arith.constant 0 : i32
    %c0_i32_0 = arith.constant 0 : i32
    return %arg0, %c0_i32 : i32, i32
  }
  func.func @transform_1(%arg0: i32) -> (i32, i32) {
    %c0_i32 = arith.constant 0 : i32
    %c0_i32_0 = arith.constant 0 : i32
    %c0_i32_1 = arith.constant 0 : i32
    return %c0_i32, %c0_i32_0 : i32, i32
  }
  func.func @transform_2(%arg0: i32) -> (i32, i32) {
    %c0_i32 = arith.constant 0 : i32
    %c0_i32_0 = arith.constant 0 : i32
    %c0_i32_1 = arith.constant 0 : i32
    return %c0_i32, %c0_i32_0 : i32, i32
  }
  func.func @transform_3(%arg0: i32) -> (i32, i32) {
    %c0_i32 = arith.constant 0 : i32
    %c0_i32_0 = arith.constant 0 : i32
    %c0_i32_1 = arith.constant 0 : i32
    return %c0_i32, %c0_i32_0 : i32, i32
  }
  func.func @transform_4(%arg0: i32) -> (i32, i32) {
    %c0_i32 = arith.constant 0 : i32
    %c0_i32_0 = arith.constant 0 : i32
    return %arg0, %c0_i32 : i32, i32
  }
}

module attributes {stable_mosaic.version = 14 : i64} {
  func.func @_mm1_body(%arg0: i32, %arg1: memref<1x1xf32, #tpu.memory_space<vmem>>, %arg2: memref<10000x128xf32, #tpu.memory_space<vmem>>, %arg3: memref<128x128xf32, #tpu.memory_space<vmem>>, %arg4: memref<160x10000xf32, #tpu.memory_space<vmem>>, %arg5: memref<160x10000xf32, #tpu.memory_space<vmem>>, %arg6: memref<128x128xf32, #tpu.memory_space<vmem>>, %arg7: memref<160x128xf32, #tpu.memory_space<vmem>>, %arg8: memref<10000x128xf32, #tpu.memory_space<vmem>>) attributes {dimension_semantics = [#tpu.dimension_semantics<arbitrary>], iteration_bounds = array<i64: 63>, scalar_prefetch = 0 : i64, scratch_operands = 1 : i64, tpu.core_type = #tpu.core_type<tc>, window_params = [{pipeline_mode = #tpu.pipeline_mode<synchronous>, transform_indices = @transform_0, window_bounds = array<i64: 1, 1>}, {pipeline_mode = #tpu.pipeline_mode<synchronous>, transform_indices = @transform_1, window_bounds = array<i64: 10000, 128>}, {pipeline_mode = #tpu.pipeline_mode<synchronous>, transform_indices = @transform_2, window_bounds = array<i64: 128, 128>}, {transform_indices = @transform_3, window_bounds = array<i64: 160, 10000>}, {transform_indices = @transform_4, window_bounds = array<i64: 160, 10000>}, {pipeline_mode = #tpu.pipeline_mode<synchronous>, transform_indices = @transform_5, window_bounds = array<i64: 128, 128>}, {transform_indices = @transform_6, window_bounds = array<i64: 160, 128>}]} {
    %eq3A = arith.constant 0 : i32
    %eq3A_0 = arith.cmpi eq, %arg0, %eq3A : i32
    %convert_element_type3A = arith.extui %eq3A_0 : i1 to i32
    %cond3A = arith.constant 0 : i32
    %cond3A_1 = arith.cmpi ne, %convert_element_type3A, %cond3A : i32
    scf.if %cond3A_1 {
      %get3A_28 = arith.constant 0 : index
      %get3A_29 = arith.constant 0 : index
      %get3A_30 = vector.load %arg2[%get3A_28, %get3A_29] : memref<10000x128xf32, #tpu.memory_space<vmem>>, vector<10000x128xf32>
      %get3A_31 = arith.constant 0 : index
      %get3A_32 = arith.constant 0 : index
      %get3A_33 = vector.load %arg3[%get3A_31, %get3A_32] : memref<128x128xf32, #tpu.memory_space<vmem>>, vector<128x128xf32>
      %dot_general3A_34 = arith.constant dense<0.000000e+00> : vector<10000x128xf32>
      %dot_general3A_35 = tpu.matmul %get3A_30, %get3A_33, %dot_general3A_34 {dimension_numbers = #tpu.dot_dimension_numbers<[1], [0], [0], [1], [0, 0, 1, 1], [], []>, transpose_lhs_hint = false} : vector<10000x128xf32>, vector<128x128xf32>, vector<10000x128xf32> -> vector<10000x128xf32>
      %swap3A_36 = arith.constant 0 : index
      %swap3A_37 = arith.constant 0 : index
      %swap3A_38 = vector.load %arg8[%swap3A_36, %swap3A_37] : memref<10000x128xf32, #tpu.memory_space<vmem>>, vector<10000x128xf32>
      tpu.vector_store %arg8[%swap3A_36, %swap3A_37], %dot_general3A_35 {strides = array<i32>} : memref<10000x128xf32, #tpu.memory_space<vmem>>, vector<10000x128xf32>,
    } else {
    }
    %get3A = arith.constant 0 : index
    %get3A_2 = arith.constant 0 : index
    %get3A_3 = vector.load %arg1[%get3A, %get3A_2] : memref<1x1xf32, #tpu.memory_space<vmem>>, vector<1x1xf32>
    %get3A_4 = vector.extract %get3A_3[0, 0] : f32 from vector<1x1xf32>
    %get3A_5 = arith.constant 0 : index
    %get3A_6 = arith.constant 0 : index
    %get3A_7 = vector.load %arg4[%get3A_5, %get3A_6] : memref<160x10000xf32, #tpu.memory_space<vmem>>, vector<160x10000xf32>
    %mul3A = vector.broadcast %get3A_4 : f32 to vector<160x10000xf32>
    %mul3A_8 = arith.mulf %mul3A, %get3A_7 : vector<160x10000xf32>
    %sub3A = arith.constant 1.000000e+00 : f32
    %sub3A_9 = arith.subf %sub3A, %get3A_4 : f32
    %get3A_10 = arith.constant 0 : index
    %get3A_11 = arith.constant 0 : index
    %get3A_12 = vector.load %arg5[%get3A_10, %get3A_11] : memref<160x10000xf32, #tpu.memory_space<vmem>>, vector<160x10000xf32>
    %mul3A_13 = vector.broadcast %sub3A_9 : f32 to vector<160x10000xf32>
    %mul3A_14 = arith.mulf %mul3A_13, %get3A_12 : vector<160x10000xf32>
    %add3A = arith.addf %mul3A_8, %mul3A_14 : vector<160x10000xf32>
    %get3A_15 = arith.constant 0 : index
    %get3A_16 = arith.constant 0 : index
    %get3A_17 = vector.load %arg8[%get3A_15, %get3A_16] : memref<10000x128xf32, #tpu.memory_space<vmem>>, vector<10000x128xf32>
    %dot_general3A = arith.constant dense<0.000000e+00> : vector<160x128xf32>
    %dot_general3A_18 = tpu.matmul %add3A, %get3A_17, %dot_general3A {dimension_numbers = #tpu.dot_dimension_numbers<[1], [0], [0], [1], [0, 0, 1, 1], [], []>, transpose_lhs_hint = false} : vector<160x10000xf32>, vector<10000x128xf32>, vector<160x128xf32> -> vector<160x128xf32>
    %max3A = arith.constant 0.000000e+00 : f32
    %max3A_19 = vector.broadcast %max3A : f32 to vector<160x128xf32>
    %max3A_20 = arith.maximumf %dot_general3A_18, %max3A_19 : vector<160x128xf32>
    %get3A_21 = arith.constant 0 : index
    %get3A_22 = arith.constant 0 : index
    %get3A_23 = vector.load %arg6[%get3A_21, %get3A_22] : memref<128x128xf32, #tpu.memory_space<vmem>>, vector<128x128xf32>
    %dot_general3A_24 = arith.constant dense<0.000000e+00> : vector<160x128xf32>
    %dot_general3A_25 = tpu.matmul %max3A_20, %get3A_23, %dot_general3A_24 {dimension_numbers = #tpu.dot_dimension_numbers<[1], [0], [0], [1], [0, 0, 1, 1], [], []>, transpose_lhs_hint = false} : vector<160x128xf32>, vector<128x128xf32>, vector<160x128xf32> -> vector<160x128xf32>
    %swap3A = arith.constant 0 : index
    %swap3A_26 = arith.constant 0 : index
    %swap3A_27 = vector.load %arg7[%swap3A, %swap3A_26] : memref<160x128xf32, #tpu.memory_space<vmem>>, vector<160x128xf32>
    tpu.vector_store %arg7[%swap3A, %swap3A_26], %dot_general3A_25 {strides = array<i32>} : memref<160x128xf32, #tpu.memory_space<vmem>>, vector<160x128xf32>,
    return
  }
  func.func @transform_0(%arg0: i32) -> (i32, i32) {
    %c0_i32 = arith.constant 0 : i32
    %c0_i32_0 = arith.constant 0 : i32
    %c0_i32_1 = arith.constant 0 : i32
    return %c0_i32, %c0_i32_0 : i32, i32
  }
  func.func @transform_1(%arg0: i32) -> (i32, i32) {
    %c0_i32 = arith.constant 0 : i32
    %c0_i32_0 = arith.constant 0 : i32
    %c0_i32_1 = arith.constant 0 : i32
    return %c0_i32, %c0_i32_0 : i32, i32
  }
  func.func @transform_2(%arg0: i32) -> (i32, i32) {
    %c0_i32 = arith.constant 0 : i32
    %c0_i32_0 = arith.constant 0 : i32
    %c0_i32_1 = arith.constant 0 : i32
    return %c0_i32, %c0_i32_0 : i32, i32
  }
  func.func @transform_3(%arg0: i32) -> (i32, i32) {
    %c0_i32 = arith.constant 0 : i32
    %c0_i32_0 = arith.constant 0 : i32
    return %arg0, %c0_i32 : i32, i32
  }
  func.func @transform_4(%arg0: i32) -> (i32, i32) {
    %c0_i32 = arith.constant 0 : i32
    %c0_i32_0 = arith.constant 0 : i32
    return %arg0, %c0_i32 : i32, i32
  }
  func.func @transform_5(%arg0: i32) -> (i32, i32) {
    %c0_i32 = arith.constant 0 : i32
    %c0_i32_0 = arith.constant 0 : i32
    %c0_i32_1 = arith.constant 0 : i32
    return %c0_i32, %c0_i32_0 : i32, i32
  }
  func.func @transform_6(%arg0: i32) -> (i32, i32) {
    %c0_i32 = arith.constant 0 : i32
    %c0_i32_0 = arith.constant 0 : i32
    return %arg0, %c0_i32 : i32, i32
  }
}

</mosaic_0001>

<sc_bundles>
// kernel: kernel.5.cloned.1.call-start
scs
__scs_entry_jumppad:
0x0: {  	(pc) =	sbr.rel $0x88, $3  }
0x1: {  	(tag) =	ssettag $0x0;
	lr =	simm.s32 $0x1  }
0x2: {  	[smem:$0x3F99] =	sst lr;
	_ =	strace $0xD0000000  }
0x3: {  	_ = 	snop  }
0x4: {  	_ = 	snop  }
0x5: {  	_ = 	snop  }
0x6: {  	_ = 	snop  }
0x7: {  	_ = 	snop  }
__scs_overlays_trampoline_lowered:
0x8: {  	[smem:$0x3FA8] =	sst s0  }
0x9: {  	[smem:$0x3FA9] =	sst s1  }
0xa: {  	[smem:$0x3FAA] =	sst s2  }
0xb: {  	[smem:$0x3FAB] =	sst s3  }
0xc: {  	[smem:$0x3FAC] =	sst s4  }
0xd: {  	[smem:$0x3FAD] =	sst s5  }
0xe: {  	[smem:$0x3FAE] =	sst s6  }
0xf: {  	[smem:$0x3FAF] =	sst s7  }
0x10: {  	[smem:$0x3FB0] =	sst s8  }
0x11: {  	[smem:$0x3FB1] =	sst s9;
	s0 =	simm.s32 @!p0 $0x0  }
0x12: {  	s1 =	sld [smem:$0x3F97];
	s0 =	simm.s32 @p0 $0x1  }
0x13: {  	[smem:$0x3FB2] =	sst s0;
	s0 =	simm.s32 @!p1 $0x0  }
0x14: {  	s2 =	sld [smem:$0x3F96];
	s0 =	simm.s32 @p1 $0x1  }
0x15: {  	[smem:$0x3FB3] =	sst s0;
	s0 =	simm.s32 @!p2 $0x0  }
0x16: {  	s3 =	sld [smem:$0x3FDB];
	s0 =	simm.s32 @p2 $0x1  }
0x17: {  	s4 =	simm.s32 $0x1BF5;
	[smem:$0x3FB5] =	sst s0  }
0x18: {  	s0 =	sld [smem:$0x3F98];
	_ =	swait.ge [sflag:s4], $0x0  }
0x19: {  	s7 =	sld [smem:$0x3F99]  }
0x1a: {  	s8 =	sadd.s32 $0xFFFFE003, lr  }
0x1b: {  	s9 =	sadd.s32 $0xFFFFFEF7, lr;
	s5 =	simm.s32 $0xFFFFFFFF;
	p2 =	slt.u32 s8, $0xFFFFF086  }
0x1c: {  	p1 =	slt.u32 s9, $0xF7A;
	s5 =	simm.s32 @!p2 $0x0  }
0x1d: {  	s5 =	simm.s32 @p1 $0x1;
	p0 =	seq.s32 s7, s2  }
0x1e: {  	s7 =	smul.u32 @!p0 $0xF7A, s2;
	p2 =	seq.s32 @!p0 s5, $0x0  }
0x1f: {  	s9 =	smul.u32 $0xF7A, s1;
	s8 =	simm.s32 @!p0 $0x1BF5;
	p2 =	por !p2, p0  }
0x20: {  	[sflag:s8] =	ssyncset.s32 @!p0 $0xFFFFF086;
	s6 =	sadd.s32 @!p0 s3, s7;
	s7 =	simm.s32 @!p0 $0x108  }
0x21: {  	s3 =	sadd.s32 s3, s9;
	s6 =	sadd.s32 @!p0 $0x88, s6;
	s7 =	simm.s32 @p2 $0x1082  }
0x22: {  	[simem:s7], [sflag:s8] =	dma.local @!p0 [hbm:s6], $0xF7A  }
0x23: {  	s9 =	sor.u32 $0xD0000000, s2;
	s6 =	simm.s32 $0x108;
	_ =	swait.ge @!p0 [sflag:s8], $0x0  }
0x24: {  	s3 =	sadd.s32 $0x88, s3;
	s6 =	simm.s32 @!p1 $0x1082;
	[sflag:s4] =	ssyncset.s32 $0xFFFFF086  }
0x25: {  	[simem:s6], [sflag:s4] =	dma.local [hbm:s3], $0xF7A  }
0x26: {  	[smem:$0x3F99] =	sst s1;
	(tag) =	ssettag s2;
	_ =	strace s9  }
0x27: {  	s1 =	sld [smem:$0x3FA9]  }
0x28: {  	s2 =	sld [smem:$0x3FAA]  }
0x29: {  	s4 =	sld [smem:$0x3FAC]  }
0x2a: {  	p0 =	seq.s32 s5, $0x0;
	s5 =	sld [smem:$0x3FAD]  }
0x2b: {  	s6 =	sld [smem:$0x3FAE]  }
0x2c: {  	s7 =	sld [smem:$0x3FAF]  }
0x2d: {  	s3 =	simm.s32 $0x108;
	s8 =	sld [smem:$0x3FB0]  }
0x2e: {  	s3 =	simm.s32 @!p0 $0x1082;
	s9 =	sld [smem:$0x3FB1]  }
0x2f: {  	lr =	sadd.s32 s0, s3;
	s0 =	sld [smem:$0x3FA8]  }
0x30: {  	s3 =	sld [smem:$0x3FAB]  }
0x31: {  	[smem:$0x3FB4] =	sst s10  }
0x32: {  	s10 =	sld [smem:$0x3FB2];
	_ =	sdelay $0x3  }
0x33: {  	p0 =	seq.s32 s10, $0x1;
	s10 =	sld [smem:$0x3FB4];
	_ =	sdelay $0x3  }
0x34: {  	[smem:$0x3FB4] =	sst s10  }
0x35: {  	s10 =	sld [smem:$0x3FB3];
	_ =	sdelay $0x3  }
0x36: {  	p1 =	seq.s32 s10, $0x1;
	s10 =	sld [smem:$0x3FB4];
	_ =	sdelay $0x3  }
0x37: {  	[smem:$0x3FB4] =	sst s10  }
0x38: {  	s10 =	sld [smem:$0x3FB5]  }
0x39: {  	_ = 	snop;
	(pc) =	sbr.ind lr, $3  }
0x3a: {  	_ = 	snop  }
0x3b: {  	_ = 	snop  }
0x3c: {  	p2 =	seq.s32 s10, $0x1;
	s10 =	sld [smem:$0x3FB4]  }
0x3d: {  	_ =	shalt  }
0x3e: {  	_ =	shalt  }
0x3f: {  	_ =	shalt  }
0x40: {  	_ =	shalt  }
0x41: {  	_ =	shalt  }
0x42: {  	_ =	shalt  }
0x43: {  	_ =	shalt  }
0x44: {  	_ =	shalt  }
0x45: {  	_ =	shalt  }
0x46: {  	_ =	shalt  }
0x47: {  	_ =	shalt  }
0x48: {  	_ =	shalt  }
0x49: {  	_ =	shalt  }
0x4a: {  	_ =	shalt  }
0x4b: {  	_ =	shalt  }
0x4c: {  	_ =	shalt  }
0x4d: {  	_ =	shalt  }
0x4e: {  	_ =	shalt  }
0x4f: {  	_ =	shalt  }
0x50: {  	_ =	shalt  }
0x51: {  	_ =	shalt  }
0x52: {  	_ =	shalt  }
0x53: {  	_ =	shalt  }
0x54: {  	_ =	shalt  }
0x55: {  	_ =	shalt  }
0x56: {  	_ =	shalt  }
0x57: {  	_ =	shalt  }
0x58: {  	_ =	shalt  }
0x59: {  	_ =	shalt  }
0x5a: {  	_ =	shalt  }
0x5b: {  	_ =	shalt  }
0x5c: {  	_ =	shalt  }
0x5d: {  	_ =	shalt  }
0x5e: {  	_ =	shalt  }
0x5f: {  	_ =	shalt  }
0x60: {  	_ =	shalt  }
0x61: {  	_ =	shalt  }
0x62: {  	_ =	shalt  }
0x63: {  	_ =	shalt  }
0x64: {  	_ =	shalt  }
0x65: {  	_ =	shalt  }
0x66: {  	_ =	shalt  }
0x67: {  	_ =	shalt  }
0x68: {  	_ =	shalt  }
0x69: {  	_ =	shalt  }
0x6a: {  	_ =	shalt  }
0x6b: {  	_ =	shalt  }
0x6c: {  	_ =	shalt  }
0x6d: {  	_ =	shalt  }
0x6e: {  	_ =	shalt  }
0x6f: {  	_ =	shalt  }
0x70: {  	_ =	shalt  }
0x71: {  	_ =	shalt  }
0x72: {  	_ =	shalt  }
0x73: {  	_ =	shalt  }
0x74: {  	_ =	shalt  }
0x75: {  	_ =	shalt  }
0x76: {  	_ =	shalt  }
0x77: {  	_ =	shalt  }
0x78: {  	_ =	shalt  }
0x79: {  	_ =	shalt  }
0x7a: {  	_ =	shalt  }
0x7b: {  	_ =	shalt  }
0x7c: {  	_ =	shalt  }
0x7d: {  	_ =	shalt  }
0x7e: {  	_ =	shalt  }
0x7f: {  	_ =	shalt  }
0x80: {  	_ =	shalt  }
0x81: {  	_ =	shalt  }
0x82: {  	_ =	shalt  }
0x83: {  	_ =	shalt  }
0x84: {  	_ =	shalt  }
0x85: {  	_ =	shalt  }
0x86: {  	_ =	shalt  }
0x87: {  	_ =	shalt  }
.Lfunc_end0:
.L_simem_size_0:
called_computation_lowered:
.L_overlay_start_0:
0x88: {  	s2 =	sld [smem:$0x3FD9]  }
0x89: {  	s3 =	sld [smem:$0x3FFE];
	_ =	sdelay $0x1  }
0x8a: {  	s1 =	srdreg.scid  }
0x8b: {  	s0 =	sand.u32 $0x1, s1  }
0x8c: {  	s14 =	sshll.u32 s0, $0xA;
	s2 =	sadd.s32 s3, s2  }
0x8d: {  	s2 =	sadd.s32 s2, s14  }
0x8e: {  	[smem:$0x3FC0] =	sst s2  }
0x8f: {  	_ = 	snop  }
0x90: {  	s2 =	sld [smem:$0x3FD0];
	_ =	sdelay $0x2  }
0x91: {  	s15 =	simm.s32 $0xA;
	s4 =	simm.s32 $0x10  }
0x92: {  	[smem:s4], [sflag:s15] =	dma.local [hbm:s2], $0x1  }
0x93: {  	_ =	swait.eq [sflag:s15], $0x1  }
0x94: {  	[sflag:s15] =	ssyncset.done $0x0  }
0x95: {  	[sflag:s15] =	ssyncadd.s32 $0xFFFFFFFF  }
0x96: {  	s16 =	sld [smem:$0x11];
	(tm) =	ssettm $0x1  }
0x97: {  	s17 =	sld [smem:$0x3FFB];
	_ =	sdelay $0x3  }
0x98: {  	_ =	strace s17  }
0x99: {  	s3 =	sld [smem:$0x3FFC];
	_ =	sdelay $0x3  }
0x9a: {  	_ =	strace s3  }
0x9b: {  	s3 =	sld [smem:$0x3FFD];
	_ =	sdelay $0x3  }
0x9c: {  	_ =	strace s3  }
0x9d: {  	_ =	strace $0x8FFFFFFF  }
0x9e: {  	s18 =	sld [smem:$0x3FDB];
	_ =	sdelay $0x1  }
0x9f: {  	s19 =	simm.s32 $_scs_section_size  }
0xa0: {  	s5 =	simm.s32 $_size__tile_overlayer_lowered;
	s6 =	simm.s32 $_tile_overlayer_lowered  }
0xa1: {  	s22 =	simm.s32 $0x1BFF;
	s21 =	sshll.u32 s6, $0x1;
	s3 =	sadd.s32 s19, s18  }
0xa2: {  	s7 =	simm.s32 $0x0;
	s20 =	sshll.u32 s5, $0x1;
	s5 =	sadd.s32 s21, s3  }
0xa3: {  	[timem:s7], [sflag:s22] =	dma.local [hbm:s5], s20  }
0xa4: {  	_ =	swait.ge [sflag:s22], s20  }
0xa5: {  	s4 =	ssub.s32 $0x0, s20;
	[sflag:s22] =	ssyncset.done $0x0  }
0xa6: {  	[sflag:s22] =	ssyncadd.s32 s4;
	_ =	sdelay $0x1  }
0xa7: {  	s23 =	simm.s32 $0x1B8B  }
0xa8: {  	_ =	swait.ge [sflag:s23], $0x1  }
0xa9: {  	[sflag:s23] =	ssyncset.done $0x0  }
0xaa: {  	s25 =	simm.s32 $0x1B8E;
	s24 =	sld [smem:$0x3FFE];
	[sflag:s23] =	ssyncadd.s32 $0xFFFFFFFF  }
0xab: {  	s26 =	simm.s32 $execute0_lowered;
	[smem:$0x3FD2] =	sst s25  }
0xac: {  	s5 =	sshll.u32 s26, $0x1;
	_ =	strace $0x80000046;
	[dreg:$0x1] =	wrdreg $0xFFFFFFFF  }
0xad: {  	s28 =	simm.s32 $_size_execute0_lowered;
	s3 =	sadd.s32 s3, s5;
	[dreg:$0x0] =	wrdreg $0x0  }
0xae: {  	s5 =	sshll.u32 s28, $0x1;
	[dreg:$0x2] =	wrdreg s3  }
0xaf: {  	[dreg:$0x3] =	wrdreg s5  }
0xb0: {  	[dreg:$0x4] =	wrdreg $0xC0  }
0xb1: {  	_ =	task [dreg:s7], $0x5FFFF  }
0xb2: {  	[dreg:$0x1] =	wrdreg $0xFFFFFFFF  }
0xb3: {  	[dreg:$0x0] =	wrdreg $0x60  }
0xb4: {  	[dreg:$0x2] =	wrdreg s24  }
0xb5: {  	[dreg:$0x3] =	wrdreg s16  }
0xb6: {  	[dreg:$0x4] =	wrdreg $0x9  }
0xb7: {  	_ =	task.clear_ibuf [dreg:s7], $0x5FFFF;
	_ =	strace $0x90000046  }
0xb8: {  	s29 =	simm.s32 $0x9;
	_ =	strace $0x80000048  }
0xb9: {  	_ =	swait.ge [sflag:s29], $0x1  }
0xba: {  	[sflag:s29] =	ssyncadd.s32 $0xFFFFFFFF  }
0xbb: {  	_ =	strace $0x90000048  }
0xbc: {  	_ =	sfence  }
0xbd: {  	s30 =	sld [smem:$0x0];
	_ =	sdelay $0x2  }
0xbe: {  	s31 =	sshll.u32 s1, $0xD;
	s1 =	sshrl.u32 s1, $0x2  }
0xbf: {  	s3 =	sand.u32 $0x4000, s31;
	s1 =	sadd.s32 s1, s30  }
0xc0: {  	s0 =	sor.u32 s3, s0;
	s1 =	sshll.u32 s1, $0x11  }
0xc1: {  	s0 =	sor.u32 s1, s0  }
0xc2: {  	s0 =	sadd.s32 $0x8F2B, s0  }
0xc3: {  	[sflag:s0] =	ssyncadd.remote.s32 $0x1  }
0xc4: {  	_ =	sfence.sel $0xFFFF  }
0xc5: {  	[dreg:$0x0] =	wrdreg $0xFFFFFFFF;
	(pc) =	sbr.abs _section_cstart, $3  }
0xc6: {  	[dreg:$0x1] =	wrdreg $0xFFFFFFFF  }
0xc7: {  	_ =	task.clear_ibuf [dreg:s7], $0x2FFFF;
	_ =	strace $0x9FFFFFFF  }
0xc8: {  	(tm) =	ssettm $0x7FFFFFFF  }
0xc9: {  	_ =	shalt  }
tec
execute0_lowered:
.L_overlay_start_1:
0x0: {  	(tag) =	ssettag $0x1  }
0x1: {  	s8 =	rddreg [dreg:$0x0]  }
0x2: {  	s1 =	rddreg [dreg:$0x1]  }
0x3: {  	s0 =	rddreg [dreg:$0x2];
	s3 =	simm.s32 $0x0;
	s5 =	srdreg.scid  }
0x4: {  	s2 =	stileid.u32;
	s11 =	simm.s32 $0x80;
	s12 =	simm.s32 $0x7D80  }
0x5: {  	s13 =	simm.s32 $0xFA80;
	s14 =	simm.s32 $0x0;
	[smem:$0x7FF] =	sst s3  }
0x6: {  	s4 =	sadd.s32 $0xBECA00, s8;
	s6 =	sand.u32 $0x1, s5;
	s7 =	sshll.u32 s2, $0x1  }
0x7: {  	s5 =	sadd.s32 $0xC00, s8;
	s8 =	sadd.s32 $0xBECC00, s8;
	s9 =	ssub.s32 $0x2, s6  }
0x8: {  	_ =	strace $0x80000047;
	s6 =	sor.u32 s6, s7;
	s10 =	sshrl.u32 s9, $0x1  }
0x9: {  	s7 =	simm.s32 $0x62;
	p0 =	slt.u32 s6, $0x15;
	s9 =	ssub.s32 s9, s10  }
0xa: {  	s7 =	simm.s32 @!p0 $0x61;
	s10 =	simm.s32 $0x1;
	s9 =	smax.u32 s9, $0x1  }
.LBB2_1:
0xb: {  	[tilespmem:s3], [sflag:$0x1] =	stream.linear.gather [hbm4b:s4+s3], $0x80, $0x38;
	[tilespmem:$0x17780] =	vst v63  }
0xc: {  	_ =	swait.ge [sflag:s10], $0x80  }
0xd: {  	[sflag:s10] =	ssyncset.done $0x0  }
0xe: {  	s15 =	simm.s32 $0x0;
	[sflag:s10] =	ssyncadd.s32 $0xFFFFFF80  }
.LBB2_2:
0xf: {  	s16 =	sshll.u32 s15, $0x5  }
0x10: {  	s16 =	sor.u32 s6, s16  }
0x11: {  	s16 =	smul.u32 $0x7D00, s16;
	_ =	sdelay $0x1  }
0x12: {  	s16 =	sshrl.u32 s16, $0x3  }
0x13: {  	s17 =	sadd.s32 s1, s16  }
0x14: {  	[tilespmem:s11], [sflag:$0x1] =	stream.linear.gather [hbm4b:s17+s3], $0x7D00, $0x38;
	[tilespmem:$0x17780] =	vst v63  }
0x15: {  	_ =	swait.ge [sflag:s10], $0x7D00  }
0x16: {  	[sflag:s10] =	ssyncset.done $0x0  }
0x17: {  	s31 =	sadd.s32 s5, s16;
	[sflag:s10] =	ssyncadd.s32 $0xFFFF8300  }
0x18: {  	[tilespmem:s12], [sflag:$0x1] =	stream.linear.gather [hbm4b:s31+s3], $0x7D00, $0x38;
	[tilespmem:$0x17780] =	vst v63  }
0x19: {  	_ =	swait.ge [sflag:s10], $0x7D00  }
0x1a: {  	[sflag:s10] =	ssyncset.done $0x0  }
0x1b: {  	[sflag:s10] =	ssyncadd.s32 $0xFFFF8300  }
0x1c: {  	s17 =	simm.s32 $0xC0;
	v0 =	vld [tilespmem:$0x0]  }
0x1d: {  	s18 =	simm.s32 $0x7DC0;
	v2 =	vld [tilespmem:s17+$0xFFFFFFC0]  }
0x1e: {  	v3 =	vld [tilespmem:s18+$0xFFFFFFC0];
	_ =	sdelay $0x2  }
0x1f: {  	v1 =	vsub.f32 $1.000000000e+00, v0;
	_ =	sdelay $0x1  }
0x20: {  	v2 =	vmul.f32 v2, v0;
	v3 =	vmul.f32 v3, v1;
	_ =	sdelay $0x1  }
0x21: {  	v2 =	vadd.f32 v3, v2  }
0x22: {  	s19 =	simm.s32 $0xFAC0  }
0x23: {  	[tilespmem:s19+$0xFFFFFFC0] =	vst v2  }
0x24: {  	v2 =	vld [tilespmem:s17+$0xFFFFFFD0]  }
0x25: {  	v3 =	vld [tilespmem:s18+$0xFFFFFFD0];
	_ =	sdelay $0x4  }
0x26: {  	v2 =	vmul.f32 v2, v0;
	v3 =	vmul.f32 v3, v1;
	_ =	sdelay $0x1  }
0x27: {  	v2 =	vadd.f32 v3, v2;
	_ =	sdelay $0x1  }
0x28: {  	[tilespmem:s19+$0xFFFFFFD0] =	vst v2  }
0x29: {  	v2 =	vld [tilespmem:s17+$0xFFFFFFE0]  }
0x2a: {  	v3 =	vld [tilespmem:s18+$0xFFFFFFE0];
	_ =	sdelay $0x4  }
0x2b: {  	v2 =	vmul.f32 v2, v0;
	v3 =	vmul.f32 v3, v1;
	_ =	sdelay $0x1  }
0x2c: {  	v2 =	vadd.f32 v3, v2;
	_ =	sdelay $0x1  }
0x2d: {  	[tilespmem:s19+$0xFFFFFFE0] =	vst v2  }
0x2e: {  	v2 =	vld [tilespmem:s17+$0xFFFFFFF0]  }
0x2f: {  	v3 =	vld [tilespmem:s18+$0xFFFFFFF0];
	_ =	sdelay $0x4  }
0x30: {  	v2 =	vmul.f32 v2, v0;
	v3 =	vmul.f32 v3, v1;
	_ =	sdelay $0x1  }
0x31: {  	v2 =	vadd.f32 v3, v2;
	_ =	sdelay $0x1  }
0x32: {  	[tilespmem:s19+$0xFFFFFFF0] =	vst v2  }
0x33: {  	v2 =	vld [tilespmem:s17+$0x0]  }
0x34: {  	v3 =	vld [tilespmem:s18+$0x0];
	_ =	sdelay $0x4  }
0x35: {  	v2 =	vmul.f32 v2, v0;
	v3 =	vmul.f32 v3, v1;
	_ =	sdelay $0x1  }
0x36: {  	v2 =	vadd.f32 v3, v2;
	_ =	sdelay $0x1  }
0x37: {  	[tilespmem:s19+$0x0] =	vst v2  }
0x38: {  	v2 =	vld [tilespmem:s17+$0x10]  }
0x39: {  	v3 =	vld [tilespmem:s18+$0x10];
	_ =	sdelay $0x4  }
0x3a: {  	v2 =	vmul.f32 v2, v0;
	v3 =	vmul.f32 v3, v1;
	_ =	sdelay $0x1  }
0x3b: {  	v2 =	vadd.f32 v3, v2;
	_ =	sdelay $0x1  }
0x3c: {  	[tilespmem:s19+$0x10] =	vst v2  }
0x3d: {  	v2 =	vld [tilespmem:s17+$0x20]  }
0x3e: {  	v3 =	vld [tilespmem:s18+$0x20];
	_ =	sdelay $0x4  }
0x3f: {  	v2 =	vmul.f32 v2, v0;
	v3 =	vmul.f32 v3, v1;
	_ =	sdelay $0x1  }
0x40: {  	v2 =	vadd.f32 v3, v2;
	_ =	sdelay $0x1  }
0x41: {  	[tilespmem:s19+$0x20] =	vst v2  }
0x42: {  	v2 =	vld [tilespmem:s17+$0x30]  }
0x43: {  	v3 =	vld [tilespmem:s18+$0x30]  }
0x44: {  	s20 =	simm.s32 $0x0;
	s21 =	simm.s32 $0xFB40  }
.LBB2_3:
0x45: {  	s20 =	sadd.s32 $0x8, s20;
	s17 =	sadd.s32 $0x80, s17;
	s18 =	sadd.s32 $0x80, s18  }
0x46: {  	p0 =	slt.u32 s20, $0x7C8  }
0x47: {  	v2 =	vmul.f32 v2, v0  }
0x48: {  	v3 =	vmul.f32 v3, v1;
	_ =	sdelay $0x1  }
0x49: {  	v2 =	vadd.f32 v3, v2;
	_ =	sdelay $0x1  }
0x4a: {  	[tilespmem:s19+$0x30] =	vst v2;
	s19 =	smov.u32 s21  }
0x4b: {  	v2 =	vld [tilespmem:s17+$0xFFFFFFC0]  }
0x4c: {  	v3 =	vld [tilespmem:s18+$0xFFFFFFC0];
	_ =	sdelay $0x4  }
0x4d: {  	v2 =	vmul.f32 v2, v0;
	v3 =	vmul.f32 v3, v1;
	_ =	sdelay $0x1  }
0x4e: {  	v2 =	vadd.f32 v3, v2;
	_ =	sdelay $0x1  }
0x4f: {  	[tilespmem:s21+$0xFFFFFFC0] =	vst v2  }
0x50: {  	v2 =	vld [tilespmem:s17+$0xFFFFFFD0]  }
0x51: {  	v3 =	vld [tilespmem:s18+$0xFFFFFFD0];
	_ =	sdelay $0x3  }
0x52: {  	v2 =	vmul.f32 v2, v0  }
0x53: {  	v3 =	vmul.f32 v3, v1;
	_ =	sdelay $0x1  }
0x54: {  	v2 =	vadd.f32 v3, v2;
	_ =	sdelay $0x1  }
0x55: {  	[tilespmem:s21+$0xFFFFFFD0] =	vst v2  }
0x56: {  	v2 =	vld [tilespmem:s17+$0xFFFFFFE0]  }
0x57: {  	v3 =	vld [tilespmem:s18+$0xFFFFFFE0];
	_ =	sdelay $0x3  }
0x58: {  	v2 =	vmul.f32 v2, v0  }
0x59: {  	v3 =	vmul.f32 v3, v1;
	_ =	sdelay $0x1  }
0x5a: {  	v2 =	vadd.f32 v3, v2;
	_ =	sdelay $0x1  }
0x5b: {  	[tilespmem:s21+$0xFFFFFFE0] =	vst v2  }
0x5c: {  	v2 =	vld [tilespmem:s17+$0xFFFFFFF0]  }
0x5d: {  	v3 =	vld [tilespmem:s18+$0xFFFFFFF0];
	_ =	sdelay $0x3  }
0x5e: {  	v2 =	vmul.f32 v2, v0  }
0x5f: {  	v3 =	vmul.f32 v3, v1;
	_ =	sdelay $0x1  }
0x60: {  	v2 =	vadd.f32 v3, v2;
	_ =	sdelay $0x1  }
0x61: {  	[tilespmem:s21+$0xFFFFFFF0] =	vst v2  }
0x62: {  	v2 =	vld [tilespmem:s17+$0x0]  }
0x63: {  	v3 =	vld [tilespmem:s18+$0x0];
	_ =	sdelay $0x3  }
0x64: {  	v2 =	vmul.f32 v2, v0  }
0x65: {  	v3 =	vmul.f32 v3, v1;
	_ =	sdelay $0x1  }
0x66: {  	v2 =	vadd.f32 v3, v2;
	_ =	sdelay $0x1  }
0x67: {  	[tilespmem:s21+$0x0] =	vst v2  }
0x68: {  	v2 =	vld [tilespmem:s17+$0x10]  }
0x69: {  	v3 =	vld [tilespmem:s18+$0x10];
	_ =	sdelay $0x3  }
0x6a: {  	v2 =	vmul.f32 v2, v0  }
0x6b: {  	v3 =	vmul.f32 v3, v1;
	_ =	sdelay $0x1  }
0x6c: {  	v2 =	vadd.f32 v3, v2;
	_ =	sdelay $0x1  }
0x6d: {  	[tilespmem:s21+$0x10] =	vst v2  }
0x6e: {  	v2 =	vld [tilespmem:s17+$0x20]  }
0x6f: {  	v3 =	vld [tilespmem:s18+$0x20];
	_ =	sdelay $0x3  }
0x70: {  	v2 =	vmul.f32 v2, v0  }
0x71: {  	v3 =	vmul.f32 v3, v1;
	_ =	sdelay $0x1  }
0x72: {  	v2 =	vadd.f32 v3, v2  }
.Ltmp0:
0x73: {  	(pc) =	sbr.rel @p0 .LBB2_3-.Ltmp0, $4  }
0x74: {  	[tilespmem:s21+$0x20] =	vst v2  }
0x75: {  	v2 =	vld [tilespmem:s17+$0x30]  }
0x76: {  	v3 =	vld [tilespmem:s18+$0x30]  }
0x77: {  	s21 =	sadd.s32 $0x80, s21  }
0x78: {  	_ =	sdelay $0x2  }
0x79: {  	v0 =	vmul.f32 v2, v0;
	v1 =	vmul.f32 v3, v1;
	_ =	sdelay $0x1  }
0x7a: {  	s15 =	sadd.s32 $0x1, s15;
	v0 =	vadd.f32 v1, v0  }
0x7b: {  	p0 =	sne.s32 s15, s7  }
.Ltmp1:
0x7c: {  	s16 =	sadd.s32 s8, s16;
	[tilespmem:s19+$0x30] =	vst v0;
	(pc) =	sbr.rel @p0 .LBB2_2-.Ltmp1, $4  }
0x7d: {  	[hbm4b:s16+s3] =	stream.linear.scatter [tilespmem:s13], [sflag:$0x1], $0x7D00, $0x38;
	[tilespmem:$0x17780] =	vst v63  }
0x7e: {  	_ =	swait.ge [sflag:s10], $0x7D00  }
0x7f: {  	[sflag:s10] =	ssyncset.done $0x0  }
0x80: {  	[sflag:s10] =	ssyncadd.s32 $0xFFFF8300  }
0x81: {  	s14 =	sadd.s32 $0x1, s14  }
0x82: {  	p0 =	sne.s32 s14, s9  }
.Ltmp2:
0x83: {  	_ = 	snop;
	(pc) =	sbr.rel @p0 .LBB2_1-.Ltmp2, $1  }
0x84: {  	_ =	sdelay $0x3  }
0x85: {  	_ =	sfence.sel $0x180000  }
0x86: {  	[bflag:$0x0] =	sbarrier.arrive $0xFFFF  }
0x87: {  	p0 =	sne.s32 s2, $0x0;
	_ =	strace $0x90000047  }
0x88: {  	s0 =	sadd.s32 @!p0 $0x100000, s0;
	[bflag:$0x2] =	sbarrier.arrive $0xFFFF  }
0x89: {  	[sflag:s0] =	ssyncadd.tile.s32 @!p0 $0x1;
	_ =	shalt  }
.Lfunc_end2:
_tile_overlayer_lowered:
.L_overlay_start_2:
0x8a: {  	(tag) =	ssettag $0x2  }
0x8b: {  	s0 =	rddreg [dreg:$0x0];
	s2 =	stileid.u32  }
0x8c: {  	s1 =	rddreg [dreg:$0x1];
	p0 =	sne.s32 s2, $0x0  }
0x8d: {  	s3 =	rddreg [dreg:$0x2];
	[bflag:$0x3] =	sbarrier.arrive $0xFFFF;
	s2 =	simm.s32 @!p0 $0x1C01  }
0x8e: {  	[timem:s3], [sflag:s2] =	dma.local @!p0 [hbm:s0], s1  }
0x8f: {  	s0 =	simm.s32 @!p0 $0x1  }
0x90: {  	_ =	swait.ge @!p0 [sflag:s0], s1  }
0x91: {  	s1 =	ssub.s32 @!p0 $0x0, s1;
	[sflag:s0] =	ssyncset.done @!p0 $0x0  }
0x92: {  	[sflag:s0] =	ssyncadd.s32 @!p0 s1  }
0x93: {  	[bflag:$0x3] =	sbarrier.arrive $0xFFFF  }
0x94: {  	_ =	shalt  }

</sc_bundles>
